<compile_context>
chip_gen: v7x
topology: tpu7x:2x2x1
jax: 0.10.2.dev20260603
libtpu: 0.0.44.dev20260713+nightly
codegen_flags: <defaults>
</compile_context>

<pallas_src>
import functools

import jax
import jax.numpy as jnp
from jax import lax
from jax.experimental import pallas as pl
from jax.experimental.pallas import tpu as pltpu
from jax.experimental.pallas import tpu_sc as plsc

_B = 16384
_C = 1000
_F = 16
_BM = 4096

_NW = 32
_RW = _B // _NW
_L = 16


def _tc_body(c_ref, xt_ref, eid_ref, cid_ref, cmax_ref):
    c = c_ref[...]
    xt = xt_ref[...]

    xx = jnp.sum(xt * xt, axis=0, keepdims=True)
    yy = jnp.sum(c * c, axis=1, keepdims=True)

    g2 = lax.dot_general(c + c, xt, (((1,), (0,)), ((), ())),
                         preferred_element_type=jnp.float32)
    d = (xx + yy) - g2
    eid_ref[...] = jnp.argmin(d, axis=0)[None, :].astype(jnp.float32)

    fn = xt / jnp.clip(jnp.sqrt(xx), 1e-8, None)
    cn = c / jnp.clip(jnp.sqrt(yy), 1e-8, None)
    cos = lax.dot_general(cn, fn, (((1,), (0,)), ((), ())),
                          preferred_element_type=jnp.float32)
    cmax_ref[...] = jnp.max(cos, axis=0, keepdims=True)
    cid_ref[...] = jnp.argmax(cos, axis=0)[None, :].astype(jnp.float32)


def _tc_partials(feature, centroids):
    xt = feature.T
    eid, cid, cmax = pl.pallas_call(
        _tc_body,
        grid=(_B // _BM,),
        in_specs=[
            pl.BlockSpec((_C, _F), lambda i: (0, 0)),
            pl.BlockSpec((_F, _BM), lambda i: (0, i)),
        ],
        out_specs=[
            pl.BlockSpec((1, _BM), lambda i: (0, i)),
            pl.BlockSpec((1, _BM), lambda i: (0, i)),
            pl.BlockSpec((1, _BM), lambda i: (0, i)),
        ],
        out_shape=[
            jax.ShapeDtypeStruct((1, _B), jnp.float32),
            jax.ShapeDtypeStruct((1, _B), jnp.float32),
            jax.ShapeDtypeStruct((1, _B), jnp.float32),
        ],
    )(centroids, xt)
    return eid[0], cid[0], cmax[0]


def _sc_select_body(eid_hbm, cid_hbm, cmax_hbm, out_hbm,
                    eid_v, cid_v, cmax_v, lab_v):
    wid = lax.axis_index("s") * 2 + lax.axis_index("c")
    base = wid * _RW
    pltpu.sync_copy(eid_hbm.at[pl.ds(base, _RW)], eid_v)
    pltpu.sync_copy(cid_hbm.at[pl.ds(base, _RW)], cid_v)
    pltpu.sync_copy(cmax_hbm.at[pl.ds(base, _RW)], cmax_v)
    for k in range(_RW // _L):
        sl = pl.ds(k * _L, _L)
        e = eid_v[sl]
        ci = cid_v[sl]
        m = cmax_v[sl]
        acc = (ci == e) & (m > 0.85)
        lab_v[sl] = jnp.where(acc, ci, -1.0)
    pltpu.sync_copy(lab_v, out_hbm.at[pl.ds(base, _RW)])


_sc_select = functools.partial(
    pl.kernel,
    out_type=jax.ShapeDtypeStruct((_B,), jnp.float32),
    mesh=plsc.VectorSubcoreMesh(core_axis_name="c", subcore_axis_name="s"),
    scratch_types=[
        pltpu.VMEM((_RW,), jnp.float32),
        pltpu.VMEM((_RW,), jnp.float32),
        pltpu.VMEM((_RW,), jnp.float32),
        pltpu.VMEM((_RW,), jnp.float32),
    ],
)(_sc_select_body)


def kernel(feature, pred, unlabeled_index, centroids):
    del pred, unlabeled_index
    eid, cid, cmax = _tc_partials(feature, centroids)
    return _sc_select(eid, cid, cmax)

# --- scband reference (transcript-rebuilt; emitter-appended) ---
"""Pipeline reference for scband-cluster-14078902796308 (READ-ONLY COPY).

The authoritative reference and input builder live on the scoring server;
editing this copy changes nothing except your own understanding.
"""

import jax, jax.numpy as jnp
import numpy as np

BATCH = 16384
NUM_CLASS = 1000
FEAT = 16

def euclidean_dist(x, y):
    # faithful to torch: xx + yy - 2*x@y.T, clamp(min=1e-12), sqrt
    xx = jnp.sum(x * x, axis=1, keepdims=True)  # [m,1] -> broadcast to [m,n]
    yy = jnp.sum(y * y, axis=1, keepdims=True).T  # [1,n]
    dist = xx + yy - 2.0 * (x @ y.T)
    dist = jnp.clip(dist, 1e-12, None)
    return jnp.sqrt(dist)


def setup_inputs(seed: int = 0) -> dict:
    key = jax.random.key(seed)
    k1, k2, k3, k4 = jax.random.split(key, 4)
    feature = jax.random.normal(k1, (BATCH, FEAT), dtype=jnp.float32)
    pred = jax.random.normal(k2, (BATCH, NUM_CLASS), dtype=jnp.float32)
    unlabeled_index = jax.random.randint(k3, (BATCH,), 0, 100000, dtype=jnp.int64 if jax.config.read('jax_enable_x64') else jnp.int32)
    # centroids: module state (self.centroids), normally filled by class_pool.query();
    # materialized here as a learned/state parameter of shape [num_class, feature_len]
    centroids = jax.random.normal(k4, (NUM_CLASS, FEAT), dtype=jnp.float32)
    return {"feature": feature, "pred": pred, "unlabeled_index": unlabeled_index, "centroids": centroids}


def reference(feature, pred, unlabeled_index, centroids):
    # euclidean assignment
    euc_dist = euclidean_dist(feature, centroids)  # [B, C]
    min_euc = jnp.min(euc_dist, axis=1)
    euc_id = jnp.argmin(euc_dist, axis=1)
    # confidence scores from pred (used for top-N state update in torch; computed faithfully)
    p = jax.nn.softmax(pred, axis=1)
    scores = jnp.max(p, axis=1)
    lbs = jnp.argmax(p, axis=1)
    idx_conf = scores > 0.9
    # cosine similarity of each feature against all centroids (vectorized form of the per-row loop)
    eps = 1e-8
    f_norm = feature / jnp.clip(jnp.linalg.norm(feature, axis=1, keepdims=True), eps, None)
    c_norm = centroids / jnp.clip(jnp.linalg.norm(centroids, axis=1, keepdims=True), eps, None)
    cos = f_norm @ c_norm.T  # [B, C]
    cos_max = jnp.max(cos, axis=1)
    label_idx = jnp.argmax(cos, axis=1)
    # label[i] = label_idx if label_idx == euc_id[i] and cos_max > 0.85 else -1
    accept = (label_idx == euc_id) & (cos_max > 0.85)
    label = jnp.where(accept, label_idx.astype(jnp.float32), jnp.float32(-1.0))
    # side-effecting pred_top_N / fake_index updates in torch are stateful bookkeeping;
    # the forward return value is `label`
    del min_euc, lbs, idx_conf, unlabeled_index
    return label

if __name__ == "__main__":
    import jax
    _d = setup_inputs()
    print(jax.jit(kernel)(*tuple(_d.values())))

</pallas_src>

<mosaic_0001>
#map = affine_map<(d0, d1) -> (0)>
module attributes {stable_mosaic.version = 14 : i64} {
  func.func @_sc_select_body(%arg0: i32, %arg1: i32, %arg2: memref<16384xf32, #tpu.memory_space<hbm>>, %arg3: memref<16384xf32, #tpu.memory_space<hbm>>, %arg4: memref<16384xf32, #tpu.memory_space<hbm>>, %arg5: memref<16384xf32, #tpu.memory_space<hbm>>, %arg6: memref<512xf32, #tpu.memory_space<vmem>>, %arg7: memref<512xf32, #tpu.memory_space<vmem>>, %arg8: memref<512xf32, #tpu.memory_space<vmem>>, %arg9: memref<512xf32, #tpu.memory_space<vmem>>) attributes {dimension_semantics = [#tpu.dimension_semantics<core_parallel>, #tpu.dimension_semantics<subcore_parallel>], iteration_bounds = array<i64: 2, 16>, scalar_prefetch = 0 : i64, scratch_operands = 4 : i64, tpu.core_type = #tpu.core_type<sc_vector_subcore>, window_params = [{transform_indices = #map}, {transform_indices = #map}, {transform_indices = #map}, {transform_indices = #map}]} {
    %mul3A = arith.constant 2 : i32
    %mul3A_0 = arith.muli %arg1, %mul3A : i32
    %add3A = arith.addi %mul3A_0, %arg0 : i32
    %mul3A_1 = arith.constant 512 : i32
    %mul3A_2 = arith.muli %add3A, %mul3A_1 : i32
    "tpu.region"() ({
      %run_scoped3A = tpu.sem_alloc : memref<!tpu.dma_semaphore, #tpu.memory_space<semaphore_mem>>
      %dma_start3A = tpu.memref_slice %arg2[%mul3A_2] : memref<16384xf32, #tpu.memory_space<hbm>> -> memref<512xf32, #tpu.memory_space<hbm>>
      %dma_start3A_667 = tpu.memref_slice %arg2[%mul3A_2] : memref<16384xf32, #tpu.memory_space<hbm>> -> memref<512xf32, #tpu.memory_space<hbm>>
      tpu.enqueue_dma source(%dma_start3A_667 : memref<512xf32, #tpu.memory_space<hbm>>) target(%arg6 : memref<512xf32, #tpu.memory_space<vmem>>) target_semaphore(%run_scoped3A : memref<!tpu.dma_semaphore, #tpu.memory_space<semaphore_mem>>)
      %dma_wait3A = tpu.memref_slice %arg2[%mul3A_2] : memref<16384xf32, #tpu.memory_space<hbm>> -> memref<512xf32, #tpu.memory_space<hbm>>
      %dma_wait3A_668 = tpu.memref_slice %arg2[%mul3A_2] : memref<16384xf32, #tpu.memory_space<hbm>> -> memref<512xf32, #tpu.memory_space<hbm>>
      tpu.wait_dma2 semaphore(%run_scoped3A : memref<!tpu.dma_semaphore, #tpu.memory_space<semaphore_mem>>) src(%dma_wait3A_668 : memref<512xf32, #tpu.memory_space<hbm>>) dst(%arg6 : memref<512xf32, #tpu.memory_space<vmem>>)
      tpu.yield
    }) : () -> ()
    "tpu.region"() ({
      %run_scoped3A = tpu.sem_alloc : memref<!tpu.dma_semaphore, #tpu.memory_space<semaphore_mem>>
      %dma_start3A = tpu.memref_slice %arg3[%mul3A_2] : memref<16384xf32, #tpu.memory_space<hbm>> -> memref<512xf32, #tpu.memory_space<hbm>>
      %dma_start3A_667 = tpu.memref_slice %arg3[%mul3A_2] : memref<16384xf32, #tpu.memory_space<hbm>> -> memref<512xf32, #tpu.memory_space<hbm>>
      tpu.enqueue_dma source(%dma_start3A_667 : memref<512xf32, #tpu.memory_space<hbm>>) target(%arg7 : memref<512xf32, #tpu.memory_space<vmem>>) target_semaphore(%run_scoped3A : memref<!tpu.dma_semaphore, #tpu.memory_space<semaphore_mem>>)
      %dma_wait3A = tpu.memref_slice %arg3[%mul3A_2] : memref<16384xf32, #tpu.memory_space<hbm>> -> memref<512xf32, #tpu.memory_space<hbm>>
      %dma_wait3A_668 = tpu.memref_slice %arg3[%mul3A_2] : memref<16384xf32, #tpu.memory_space<hbm>> -> memref<512xf32, #tpu.memory_space<hbm>>
      tpu.wait_dma2 semaphore(%run_scoped3A : memref<!tpu.dma_semaphore, #tpu.memory_space<semaphore_mem>>) src(%dma_wait3A_668 : memref<512xf32, #tpu.memory_space<hbm>>) dst(%arg7 : memref<512xf32, #tpu.memory_space<vmem>>)
      tpu.yield
    }) : () -> ()
    "tpu.region"() ({
      %run_scoped3A = tpu.sem_alloc : memref<!tpu.dma_semaphore, #tpu.memory_space<semaphore_mem>>
      %dma_start3A = tpu.memref_slice %arg4[%mul3A_2] : memref<16384xf32, #tpu.memory_space<hbm>> -> memref<512xf32, #tpu.memory_space<hbm>>
      %dma_start3A_667 = tpu.memref_slice %arg4[%mul3A_2] : memref<16384xf32, #tpu.memory_space<hbm>> -> memref<512xf32, #tpu.memory_space<hbm>>
      tpu.enqueue_dma source(%dma_start3A_667 : memref<512xf32, #tpu.memory_space<hbm>>) target(%arg8 : memref<512xf32, #tpu.memory_space<vmem>>) target_semaphore(%run_scoped3A : memref<!tpu.dma_semaphore, #tpu.memory_space<semaphore_mem>>)
      %dma_wait3A = tpu.memref_slice %arg4[%mul3A_2] : memref<16384xf32, #tpu.memory_space<hbm>> -> memref<512xf32, #tpu.memory_space<hbm>>
      %dma_wait3A_668 = tpu.memref_slice %arg4[%mul3A_2] : memref<16384xf32, #tpu.memory_space<hbm>> -> memref<512xf32, #tpu.memory_space<hbm>>
      tpu.wait_dma2 semaphore(%run_scoped3A : memref<!tpu.dma_semaphore, #tpu.memory_space<semaphore_mem>>) src(%dma_wait3A_668 : memref<512xf32, #tpu.memory_space<hbm>>) dst(%arg8 : memref<512xf32, #tpu.memory_space<vmem>>)
      tpu.yield
    }) : () -> ()
    %get3A = arith.constant 0 : index
    %get3A_3 = tpu.vector_load %arg6[%get3A] {strides = array<i32>} : memref<512xf32, #tpu.memory_space<vmem>>, vector<16xf32>,
    %get3A_4 = vector.shape_cast %get3A_3 : vector<16xf32> to vector<16xf32>
    %get3A_5 = arith.constant 0 : index
    %get3A_6 = tpu.vector_load %arg7[%get3A_5] {strides = array<i32>} : memref<512xf32, #tpu.memory_space<vmem>>, vector<16xf32>,
    %get3A_7 = vector.shape_cast %get3A_6 : vector<16xf32> to vector<16xf32>
    %get3A_8 = arith.constant 0 : index
    %get3A_9 = tpu.vector_load %arg8[%get3A_8] {strides = array<i32>} : memref<512xf32, #tpu.memory_space<vmem>>, vector<16xf32>,
    %get3A_10 = vector.shape_cast %get3A_9 : vector<16xf32> to vector<16xf32>
    %eq3A = arith.cmpf oeq, %get3A_7, %get3A_4 : vector<16xf32>
    %gt3A = arith.constant 8.500000e-01 : f32
    %gt3A_11 = vector.broadcast %gt3A : f32 to vector<16xf32>
    %gt3A_12 = arith.cmpf ogt, %get3A_10, %gt3A_11 : vector<16xf32>
    %and3A = arith.andi %eq3A, %gt3A_12 : vector<16xi1>
    %jit3A = arith.constant -1.000000e+00 : f32
    %broadcast_in_dim3A = vector.broadcast %jit3A : f32 to vector<16xf32>
    %select_n3A = arith.select %and3A, %get3A_7, %broadcast_in_dim3A : vector<16xi1>, vector<16xf32>
    %swap3A = arith.constant 0 : index
    %swap3A_13 = tpu.vector_load %arg9[%swap3A] {strides = array<i32>} : memref<512xf32, #tpu.memory_space<vmem>>, vector<16xf32>,
    %swap3A_14 = vector.shape_cast %swap3A_13 : vector<16xf32> to vector<16xf32>
    %swap3A_15 = vector.shape_cast %select_n3A : vector<16xf32> to vector<16xf32>
    tpu.vector_store %arg9[%swap3A], %swap3A_15 {strides = array<i32>} : memref<512xf32, #tpu.memory_space<vmem>>, vector<16xf32>,
    %get3A_16 = arith.constant 16 : index
    %get3A_17 = tpu.vector_load %arg6[%get3A_16] {strides = array<i32>} : memref<512xf32, #tpu.memory_space<vmem>>, vector<16xf32>,
    %get3A_18 = vector.shape_cast %get3A_17 : vector<16xf32> to vector<16xf32>
    %get3A_19 = arith.constant 16 : index
    %get3A_20 = tpu.vector_load %arg7[%get3A_19] {strides = array<i32>} : memref<512xf32, #tpu.memory_space<vmem>>, vector<16xf32>,
    %get3A_21 = vector.shape_cast %get3A_20 : vector<16xf32> to vector<16xf32>
    %get3A_22 = arith.constant 16 : index
    %get3A_23 = tpu.vector_load %arg8[%get3A_22] {strides = array<i32>} : memref<512xf32, #tpu.memory_space<vmem>>, vector<16xf32>,
    %get3A_24 = vector.shape_cast %get3A_23 : vector<16xf32> to vector<16xf32>
    %eq3A_25 = arith.cmpf oeq, %get3A_21, %get3A_18 : vector<16xf32>
    %gt3A_26 = arith.constant 8.500000e-01 : f32
    %gt3A_27 = vector.broadcast %gt3A_26 : f32 to vector<16xf32>
    %gt3A_28 = arith.cmpf ogt, %get3A_24, %gt3A_27 : vector<16xf32>
    %and3A_29 = arith.andi %eq3A_25, %gt3A_28 : vector<16xi1>
    %jit3A_30 = arith.constant -1.000000e+00 : f32
    %broadcast_in_dim3A_31 = vector.broadcast %jit3A_30 : f32 to vector<16xf32>
    %select_n3A_32 = arith.select %and3A_29, %get3A_21, %broadcast_in_dim3A_31 : vector<16xi1>, vector<16xf32>
    %swap3A_33 = arith.constant 16 : index
    %swap3A_34 = tpu.vector_load %arg9[%swap3A_33] {strides = array<i32>} : memref<512xf32, #tpu.memory_space<vmem>>, vector<16xf32>,
    %swap3A_35 = vector.shape_cast %swap3A_34 : vector<16xf32> to vector<16xf32>
    %swap3A_36 = vector.shape_cast %select_n3A_32 : vector<16xf32> to vector<16xf32>
    tpu.vector_store %arg9[%swap3A_33], %swap3A_36 {strides = array<i32>} : memref<512xf32, #tpu.memory_space<vmem>>, vector<16xf32>,
    %get3A_37 = arith.constant 32 : index
    %get3A_38 = tpu.vector_load %arg6[%get3A_37] {strides = array<i32>} : memref<512xf32, #tpu.memory_space<vmem>>, vector<16xf32>,
    %get3A_39 = vector.shape_cast %get3A_38 : vector<16xf32> to vector<16xf32>
    %get3A_40 = arith.constant 32 : index
    %get3A_41 = tpu.vector_load %arg7[%get3A_40] {strides = array<i32>} : memref<512xf32, #tpu.memory_space<vmem>>, vector<16xf32>,
    %get3A_42 = vector.shape_cast %get3A_41 : vector<16xf32> to vector<16xf32>
    %get3A_43 = arith.constant 32 : index
    %get3A_44 = tpu.vector_load %arg8[%get3A_43] {strides = array<i32>} : memref<512xf32, #tpu.memory_space<vmem>>, vector<16xf32>,
    %get3A_45 = vector.shape_cast %get3A_44 : vector<16xf32> to vector<16xf32>
    %eq3A_46 = arith.cmpf oeq, %get3A_42, %get3A_39 : vector<16xf32>
    %gt3A_47 = arith.constant 8.500000e-01 : f32
    %gt3A_48 = vector.broadcast %gt3A_47 : f32 to vector<16xf32>
    %gt3A_49 = arith.cmpf ogt, %get3A_45, %gt3A_48 : vector<16xf32>
    %and3A_50 = arith.andi %eq3A_46, %gt3A_49 : vector<16xi1>
    %jit3A_51 = arith.constant -1.000000e+00 : f32
    %broadcast_in_dim3A_52 = vector.broadcast %jit3A_51 : f32 to vector<16xf32>
    %select_n3A_53 = arith.select %and3A_50, %get3A_42, %broadcast_in_dim3A_52 : vector<16xi1>, vector<16xf32>
    %swap3A_54 = arith.constant 32 : index
    %swap3A_55 = tpu.vector_load %arg9[%swap3A_54] {strides = array<i32>} : memref<512xf32, #tpu.memory_space<vmem>>, vector<16xf32>,
    %swap3A_56 = vector.shape_cast %swap3A_55 : vector<16xf32> to vector<16xf32>
    %swap3A_57 = vector.shape_cast %select_n3A_53 : vector<16xf32> to vector<16xf32>
    tpu.vector_store %arg9[%swap3A_54], %swap3A_57 {strides = array<i32>} : memref<512xf32, #tpu.memory_space<vmem>>, vector<16xf32>,
    %get3A_58 = arith.constant 48 : index
    %get3A_59 = tpu.vector_load %arg6[%get3A_58] {strides = array<i32>} : memref<512xf32, #tpu.memory_space<vmem>>, vector<16xf32>,
    %get3A_60 = vector.shape_cast %get3A_59 : vector<16xf32> to vector<16xf32>
    %get3A_61 = arith.constant 48 : index
    %get3A_62 = tpu.vector_load %arg7[%get3A_61] {strides = array<i32>} : memref<512xf32, #tpu.memory_space<vmem>>, vector<16xf32>,
    %get3A_63 = vector.shape_cast %get3A_62 : vector<16xf32> to vector<16xf32>
    %get3A_64 = arith.constant 48 : index
    %get3A_65 = tpu.vector_load %arg8[%get3A_64] {strides = array<i32>} : memref<512xf32, #tpu.memory_space<vmem>>, vector<16xf32>,
    %get3A_66 = vector.shape_cast %get3A_65 : vector<16xf32> to vector<16xf32>
    %eq3A_67 = arith.cmpf oeq, %get3A_63, %get3A_60 : vector<16xf32>
    %gt3A_68 = arith.constant 8.500000e-01 : f32
    %gt3A_69 = vector.broadcast %gt3A_68 : f32 to vector<16xf32>
    %gt3A_70 = arith.cmpf ogt, %get3A_66, %gt3A_69 : vector<16xf32>
    %and3A_71 = arith.andi %eq3A_67, %gt3A_70 : vector<16xi1>
    %jit3A_72 = arith.constant -1.000000e+00 : f32
    %broadcast_in_dim3A_73 = vector.broadcast %jit3A_72 : f32 to vector<16xf32>
    %select_n3A_74 = arith.select %and3A_71, %get3A_63, %broadcast_in_dim3A_73 : vector<16xi1>, vector<16xf32>
    %swap3A_75 = arith.constant 48 : index
    %swap3A_76 = tpu.vector_load %arg9[%swap3A_75] {strides = array<i32>} : memref<512xf32, #tpu.memory_space<vmem>>, vector<16xf32>,
    %swap3A_77 = vector.shape_cast %swap3A_76 : vector<16xf32> to vector<16xf32>
    %swap3A_78 = vector.shape_cast %select_n3A_74 : vector<16xf32> to vector<16xf32>
    tpu.vector_store %arg9[%swap3A_75], %swap3A_78 {strides = array<i32>} : memref<512xf32, #tpu.memory_space<vmem>>, vector<16xf32>,
    %get3A_79 = arith.constant 64 : index
    %get3A_80 = tpu.vector_load %arg6[%get3A_79] {strides = array<i32>} : memref<512xf32, #tpu.memory_space<vmem>>, vector<16xf32>,
    %get3A_81 = vector.shape_cast %get3A_80 : vector<16xf32> to vector<16xf32>
    %get3A_82 = arith.constant 64 : index
    %get3A_83 = tpu.vector_load %arg7[%get3A_82] {strides = array<i32>} : memref<512xf32, #tpu.memory_space<vmem>>, vector<16xf32>,
    %get3A_84 = vector.shape_cast %get3A_83 : vector<16xf32> to vector<16xf32>
    %get3A_85 = arith.constant 64 : index
    %get3A_86 = tpu.vector_load %arg8[%get3A_85] {strides = array<i32>} : memref<512xf32, #tpu.memory_space<vmem>>, vector<16xf32>,
    %get3A_87 = vector.shape_cast %get3A_86 : vector<16xf32> to vector<16xf32>
    %eq3A_88 = arith.cmpf oeq, %get3A_84, %get3A_81 : vector<16xf32>
    %gt3A_89 = arith.constant 8.500000e-01 : f32
    %gt3A_90 = vector.broadcast %gt3A_89 : f32 to vector<16xf32>
    %gt3A_91 = arith.cmpf ogt, %get3A_87, %gt3A_90 : vector<16xf32>
    %and3A_92 = arith.andi %eq3A_88, %gt3A_91 : vector<16xi1>
    %jit3A_93 = arith.constant -1.000000e+00 : f32
    %broadcast_in_dim3A_94 = vector.broadcast %jit3A_93 : f32 to vector<16xf32>
    %select_n3A_95 = arith.select %and3A_92, %get3A_84, %broadcast_in_dim3A_94 : vector<16xi1>, vector<16xf32>
    %swap3A_96 = arith.constant 64 : index
    %swap3A_97 = tpu.vector_load %arg9[%swap3A_96] {strides = array<i32>} : memref<512xf32, #tpu.memory_space<vmem>>, vector<16xf32>,
    %swap3A_98 = vector.shape_cast %swap3A_97 : vector<16xf32> to vector<16xf32>
    %swap3A_99 = vector.shape_cast %select_n3A_95 : vector<16xf32> to vector<16xf32>
    tpu.vector_store %arg9[%swap3A_96], %swap3A_99 {strides = array<i32>} : memref<512xf32, #tpu.memory_space<vmem>>, vector<16xf32>,
    %get3A_100 = arith.constant 80 : index
    %get3A_101 = tpu.vector_load %arg6[%get3A_100] {strides = array<i32>} : memref<512xf32, #tpu.memory_space<vmem>>, vector<16xf32>,
    %get3A_102 = vector.shape_cast %get3A_101 : vector<16xf32> to vector<16xf32>
    %get3A_103 = arith.constant 80 : index
    %get3A_104 = tpu.vector_load %arg7[%get3A_103] {strides = array<i32>} : memref<512xf32, #tpu.memory_space<vmem>>, vector<16xf32>,
    %get3A_105 = vector.shape_cast %get3A_104 : vector<16xf32> to vector<16xf32>
    %get3A_106 = arith.constant 80 : index
    %get3A_107 = tpu.vector_load %arg8[%get3A_106] {strides = array<i32>} : memref<512xf32, #tpu.memory_space<vmem>>, vector<16xf32>,
    %get3A_108 = vector.shape_cast %get3A_107 : vector<16xf32> to vector<16xf32>
    %eq3A_109 = arith.cmpf oeq, %get3A_105, %get3A_102 : vector<16xf32>
    %gt3A_110 = arith.constant 8.500000e-01 : f32
    %gt3A_111 = vector.broadcast %gt3A_110 : f32 to vector<16xf32>
    %gt3A_112 = arith.cmpf ogt, %get3A_108, %gt3A_111 : vector<16xf32>
    %and3A_113 = arith.andi %eq3A_109, %gt3A_112 : vector<16xi1>
    %jit3A_114 = arith.constant -1.000000e+00 : f32
    %broadcast_in_dim3A_115 = vector.broadcast %jit3A_114 : f32 to vector<16xf32>
    %select_n3A_116 = arith.select %and3A_113, %get3A_105, %broadcast_in_dim3A_115 : vector<16xi1>, vector<16xf32>
    %swap3A_117 = arith.constant 80 : index
    %swap3A_118 = tpu.vector_load %arg9[%swap3A_117] {strides = array<i32>} : memref<512xf32, #tpu.memory_space<vmem>>, vector<16xf32>,
    %swap3A_119 = vector.shape_cast %swap3A_118 : vector<16xf32> to vector<16xf32>
    %swap3A_120 = vector.shape_cast %select_n3A_116 : vector<16xf32> to vector<16xf32>
    tpu.vector_store %arg9[%swap3A_117], %swap3A_120 {strides = array<i32>} : memref<512xf32, #tpu.memory_space<vmem>>, vector<16xf32>,
    %get3A_121 = arith.constant 96 : index
    %get3A_122 = tpu.vector_load %arg6[%get3A_121] {strides = array<i32>} : memref<512xf32, #tpu.memory_space<vmem>>, vector<16xf32>,
    %get3A_123 = vector.shape_cast %get3A_122 : vector<16xf32> to vector<16xf32>
    %get3A_124 = arith.constant 96 : index
    %get3A_125 = tpu.vector_load %arg7[%get3A_124] {strides = array<i32>} : memref<512xf32, #tpu.memory_space<vmem>>, vector<16xf32>,
    %get3A_126 = vector.shape_cast %get3A_125 : vector<16xf32> to vector<16xf32>
    %get3A_127 = arith.constant 96 : index
    %get3A_128 = tpu.vector_load %arg8[%get3A_127] {strides = array<i32>} : memref<512xf32, #tpu.memory_space<vmem>>, vector<16xf32>,
    %get3A_129 = vector.shape_cast %get3A_128 : vector<16xf32> to vector<16xf32>
    %eq3A_130 = arith.cmpf oeq, %get3A_126, %get3A_123 : vector<16xf32>
    %gt3A_131 = arith.constant 8.500000e-01 : f32
    %gt3A_132 = vector.broadcast %gt3A_131 : f32 to vector<16xf32>
    %gt3A_133 = arith.cmpf ogt, %get3A_129, %gt3A_132 : vector<16xf32>
    %and3A_134 = arith.andi %eq3A_130, %gt3A_133 : vector<16xi1>
    %jit3A_135 = arith.constant -1.000000e+00 : f32
    %broadcast_in_dim3A_136 = vector.broadcast %jit3A_135 : f32 to vector<16xf32>
    %select_n3A_137 = arith.select %and3A_134, %get3A_126, %broadcast_in_dim3A_136 : vector<16xi1>, vector<16xf32>
    %swap3A_138 = arith.constant 96 : index
    %swap3A_139 = tpu.vector_load %arg9[%swap3A_138] {strides = array<i32>} : memref<512xf32, #tpu.memory_space<vmem>>, vector<16xf32>,
    %swap3A_140 = vector.shape_cast %swap3A_139 : vector<16xf32> to vector<16xf32>
    %swap3A_141 = vector.shape_cast %select_n3A_137 : vector<16xf32> to vector<16xf32>
    tpu.vector_store %arg9[%swap3A_138], %swap3A_141 {strides = array<i32>} : memref<512xf32, #tpu.memory_space<vmem>>, vector<16xf32>,
    %get3A_142 = arith.constant 112 : index
    %get3A_143 = tpu.vector_load %arg6[%get3A_142] {strides = array<i32>} : memref<512xf32, #tpu.memory_space<vmem>>, vector<16xf32>,
    %get3A_144 = vector.shape_cast %get3A_143 : vector<16xf32> to vector<16xf32>
    %get3A_145 = arith.constant 112 : index
    %get3A_146 = tpu.vector_load %arg7[%get3A_145] {strides = array<i32>} : memref<512xf32, #tpu.memory_space<vmem>>, vector<16xf32>,
    %get3A_147 = vector.shape_cast %get3A_146 : vector<16xf32> to vector<16xf32>
    %get3A_148 = arith.constant 112 : index
    %get3A_149 = tpu.vector_load %arg8[%get3A_148] {strides = array<i32>} : memref<512xf32, #tpu.memory_space<vmem>>, vector<16xf32>,
    %get3A_150 = vector.shape_cast %get3A_149 : vector<16xf32> to vector<16xf32>
    %eq3A_151 = arith.cmpf oeq, %get3A_147, %get3A_144 : vector<16xf32>
    %gt3A_152 = arith.constant 8.500000e-01 : f32
    %gt3A_153 = vector.broadcast %gt3A_152 : f32 to vector<16xf32>
    %gt3A_154 = arith.cmpf ogt, %get3A_150, %gt3A_153 : vector<16xf32>
    %and3A_155 = arith.andi %eq3A_151, %gt3A_154 : vector<16xi1>
    %jit3A_156 = arith.constant -1.000000e+00 : f32
    %broadcast_in_dim3A_157 = vector.broadcast %jit3A_156 : f32 to vector<16xf32>
    %select_n3A_158 = arith.select %and3A_155, %get3A_147, %broadcast_in_dim3A_157 : vector<16xi1>, vector<16xf32>
    %swap3A_159 = arith.constant 112 : index
    %swap3A_160 = tpu.vector_load %arg9[%swap3A_159] {strides = array<i32>} : memref<512xf32, #tpu.memory_space<vmem>>, vector<16xf32>,
    %swap3A_161 = vector.shape_cast %swap3A_160 : vector<16xf32> to vector<16xf32>
    %swap3A_162 = vector.shape_cast %select_n3A_158 : vector<16xf32> to vector<16xf32>
    tpu.vector_store %arg9[%swap3A_159], %swap3A_162 {strides = array<i32>} : memref<512xf32, #tpu.memory_space<vmem>>, vector<16xf32>,
    %get3A_163 = arith.constant 128 : index
    %get3A_164 = tpu.vector_load %arg6[%get3A_163] {strides = array<i32>} : memref<512xf32, #tpu.memory_space<vmem>>, vector<16xf32>,
    %get3A_165 = vector.shape_cast %get3A_164 : vector<16xf32> to vector<16xf32>
    %get3A_166 = arith.constant 128 : index
    %get3A_167 = tpu.vector_load %arg7[%get3A_166] {strides = array<i32>} : memref<512xf32, #tpu.memory_space<vmem>>, vector<16xf32>,
    %get3A_168 = vector.shape_cast %get3A_167 : vector<16xf32> to vector<16xf32>
    %get3A_169 = arith.constant 128 : index
    %get3A_170 = tpu.vector_load %arg8[%get3A_169] {strides = array<i32>} : memref<512xf32, #tpu.memory_space<vmem>>, vector<16xf32>,
    %get3A_171 = vector.shape_cast %get3A_170 : vector<16xf32> to vector<16xf32>
    %eq3A_172 = arith.cmpf oeq, %get3A_168, %get3A_165 : vector<16xf32>
    %gt3A_173 = arith.constant 8.500000e-01 : f32
    %gt3A_174 = vector.broadcast %gt3A_173 : f32 to vector<16xf32>
    %gt3A_175 = arith.cmpf ogt, %get3A_171, %gt3A_174 : vector<16xf32>
    %and3A_176 = arith.andi %eq3A_172, %gt3A_175 : vector<16xi1>
    %jit3A_177 = arith.constant -1.000000e+00 : f32
    %broadcast_in_dim3A_178 = vector.broadcast %jit3A_177 : f32 to vector<16xf32>
    %select_n3A_179 = arith.select %and3A_176, %get3A_168, %broadcast_in_dim3A_178 : vector<16xi1>, vector<16xf32>
    %swap3A_180 = arith.constant 128 : index
    %swap3A_181 = tpu.vector_load %arg9[%swap3A_180] {strides = array<i32>} : memref<512xf32, #tpu.memory_space<vmem>>, vector<16xf32>,
    %swap3A_182 = vector.shape_cast %swap3A_181 : vector<16xf32> to vector<16xf32>
    %swap3A_183 = vector.shape_cast %select_n3A_179 : vector<16xf32> to vector<16xf32>
    tpu.vector_store %arg9[%swap3A_180], %swap3A_183 {strides = array<i32>} : memref<512xf32, #tpu.memory_space<vmem>>, vector<16xf32>,
    %get3A_184 = arith.constant 144 : index
    %get3A_185 = tpu.vector_load %arg6[%get3A_184] {strides = array<i32>} : memref<512xf32, #tpu.memory_space<vmem>>, vector<16xf32>,
    %get3A_186 = vector.shape_cast %get3A_185 : vector<16xf32> to vector<16xf32>
    %get3A_187 = arith.constant 144 : index
    %get3A_188 = tpu.vector_load %arg7[%get3A_187] {strides = array<i32>} : memref<512xf32, #tpu.memory_space<vmem>>, vector<16xf32>,
    %get3A_189 = vector.shape_cast %get3A_188 : vector<16xf32> to vector<16xf32>
    %get3A_190 = arith.constant 144 : index
    %get3A_191 = tpu.vector_load %arg8[%get3A_190] {strides = array<i32>} : memref<512xf32, #tpu.memory_space<vmem>>, vector<16xf32>,
    %get3A_192 = vector.shape_cast %get3A_191 : vector<16xf32> to vector<16xf32>
    %eq3A_193 = arith.cmpf oeq, %get3A_189, %get3A_186 : vector<16xf32>
    %gt3A_194 = arith.constant 8.500000e-01 : f32
    %gt3A_195 = vector.broadcast %gt3A_194 : f32 to vector<16xf32>
    %gt3A_196 = arith.cmpf ogt, %get3A_192, %gt3A_195 : vector<16xf32>
    %and3A_197 = arith.andi %eq3A_193, %gt3A_196 : vector<16xi1>
    %jit3A_198 = arith.constant -1.000000e+00 : f32
    %broadcast_in_dim3A_199 = vector.broadcast %jit3A_198 : f32 to vector<16xf32>
    %select_n3A_200 = arith.select %and3A_197, %get3A_189, %broadcast_in_dim3A_199 : vector<16xi1>, vector<16xf32>
    %swap3A_201 = arith.constant 144 : index
    %swap3A_202 = tpu.vector_load %arg9[%swap3A_201] {strides = array<i32>} : memref<512xf32, #tpu.memory_space<vmem>>, vector<16xf32>,
    %swap3A_203 = vector.shape_cast %swap3A_202 : vector<16xf32> to vector<16xf32>
    %swap3A_204 = vector.shape_cast %select_n3A_200 : vector<16xf32> to vector<16xf32>
    tpu.vector_store %arg9[%swap3A_201], %swap3A_204 {strides = array<i32>} : memref<512xf32, #tpu.memory_space<vmem>>, vector<16xf32>,
    %get3A_205 = arith.constant 160 : index
    %get3A_206 = tpu.vector_load %arg6[%get3A_205] {strides = array<i32>} : memref<512xf32, #tpu.memory_space<vmem>>, vector<16xf32>,
    %get3A_207 = vector.shape_cast %get3A_206 : vector<16xf32> to vector<16xf32>
    %get3A_208 = arith.constant 160 : index
    %get3A_209 = tpu.vector_load %arg7[%get3A_208] {strides = array<i32>} : memref<512xf32, #tpu.memory_space<vmem>>, vector<16xf32>,
    %get3A_210 = vector.shape_cast %get3A_209 : vector<16xf32> to vector<16xf32>
    %get3A_211 = arith.constant 160 : index
    %get3A_212 = tpu.vector_load %arg8[%get3A_211] {strides = array<i32>} : memref<512xf32, #tpu.memory_space<vmem>>, vector<16xf32>,
    %get3A_213 = vector.shape_cast %get3A_212 : vector<16xf32> to vector<16xf32>
    %eq3A_214 = arith.cmpf oeq, %get3A_210, %get3A_207 : vector<16xf32>
    %gt3A_215 = arith.constant 8.500000e-01 : f32
    %gt3A_216 = vector.broadcast %gt3A_215 : f32 to vector<16xf32>
    %gt3A_217 = arith.cmpf ogt, %get3A_213, %gt3A_216 : vector<16xf32>
    %and3A_218 = arith.andi %eq3A_214, %gt3A_217 : vector<16xi1>
    %jit3A_219 = arith.constant -1.000000e+00 : f32
    %broadcast_in_dim3A_220 = vector.broadcast %jit3A_219 : f32 to vector<16xf32>
    %select_n3A_221 = arith.select %and3A_218, %get3A_210, %broadcast_in_dim3A_220 : vector<16xi1>, vector<16xf32>
    %swap3A_222 = arith.constant 160 : index
    %swap3A_223 = tpu.vector_load %arg9[%swap3A_222] {strides = array<i32>} : memref<512xf32, #tpu.memory_space<vmem>>, vector<16xf32>,
    %swap3A_224 = vector.shape_cast %swap3A_223 : vector<16xf32> to vector<16xf32>
    %swap3A_225 = vector.shape_cast %select_n3A_221 : vector<16xf32> to vector<16xf32>
    tpu.vector_store %arg9[%swap3A_222], %swap3A_225 {strides = array<i32>} : memref<512xf32, #tpu.memory_space<vmem>>, vector<16xf32>,
    %get3A_226 = arith.constant 176 : index
    %get3A_227 = tpu.vector_load %arg6[%get3A_226] {strides = array<i32>} : memref<512xf32, #tpu.memory_space<vmem>>, vector<16xf32>,
    %get3A_228 = vector.shape_cast %get3A_227 : vector<16xf32> to vector<16xf32>
    %get3A_229 = arith.constant 176 : index
    %get3A_230 = tpu.vector_load %arg7[%get3A_229] {strides = array<i32>} : memref<512xf32, #tpu.memory_space<vmem>>, vector<16xf32>,
    %get3A_231 = vector.shape_cast %get3A_230 : vector<16xf32> to vector<16xf32>
    %get3A_232 = arith.constant 176 : index
    %get3A_233 = tpu.vector_load %arg8[%get3A_232] {strides = array<i32>} : memref<512xf32, #tpu.memory_space<vmem>>, vector<16xf32>,
    %get3A_234 = vector.shape_cast %get3A_233 : vector<16xf32> to vector<16xf32>
    %eq3A_235 = arith.cmpf oeq, %get3A_231, %get3A_228 : vector<16xf32>
    %gt3A_236 = arith.constant 8.500000e-01 : f32
    %gt3A_237 = vector.broadcast %gt3A_236 : f32 to vector<16xf32>
    %gt3A_238 = arith.cmpf ogt, %get3A_234, %gt3A_237 : vector<16xf32>
    %and3A_239 = arith.andi %eq3A_235, %gt3A_238 : vector<16xi1>
    %jit3A_240 = arith.constant -1.000000e+00 : f32
    %broadcast_in_dim3A_241 = vector.broadcast %jit3A_240 : f32 to vector<16xf32>
    %select_n3A_242 = arith.select %and3A_239, %get3A_231, %broadcast_in_dim3A_241 : vector<16xi1>, vector<16xf32>
    %swap3A_243 = arith.constant 176 : index
    %swap3A_244 = tpu.vector_load %arg9[%swap3A_243] {strides = array<i32>} : memref<512xf32, #tpu.memory_space<vmem>>, vector<16xf32>,
    %swap3A_245 = vector.shape_cast %swap3A_244 : vector<16xf32> to vector<16xf32>
    %swap3A_246 = vector.shape_cast %select_n3A_242 : vector<16xf32> to vector<16xf32>
    tpu.vector_store %arg9[%swap3A_243], %swap3A_246 {strides = array<i32>} : memref<512xf32, #tpu.memory_space<vmem>>, vector<16xf32>,
    %get3A_247 = arith.constant 192 : index
    %get3A_248 = tpu.vector_load %arg6[%get3A_247] {strides = array<i32>} : memref<512xf32, #tpu.memory_space<vmem>>, vector<16xf32>,
    %get3A_249 = vector.shape_cast %get3A_248 : vector<16xf32> to vector<16xf32>
    %get3A_250 = arith.constant 192 : index
    %get3A_251 = tpu.vector_load %arg7[%get3A_250] {strides = array<i32>} : memref<512xf32, #tpu.memory_space<vmem>>, vector<16xf32>,
    %get3A_252 = vector.shape_cast %get3A_251 : vector<16xf32> to vector<16xf32>
    %get3A_253 = arith.constant 192 : index
    %get3A_254 = tpu.vector_load %arg8[%get3A_253] {strides = array<i32>} : memref<512xf32, #tpu.memory_space<vmem>>, vector<16xf32>,
    %get3A_255 = vector.shape_cast %get3A_254 : vector<16xf32> to vector<16xf32>
    %eq3A_256 = arith.cmpf oeq, %get3A_252, %get3A_249 : vector<16xf32>
    %gt3A_257 = arith.constant 8.500000e-01 : f32
    %gt3A_258 = vector.broadcast %gt3A_257 : f32 to vector<16xf32>
    %gt3A_259 = arith.cmpf ogt, %get3A_255, %gt3A_258 : vector<16xf32>
    %and3A_260 = arith.andi %eq3A_256, %gt3A_259 : vector<16xi1>
    %jit3A_261 = arith.constant -1.000000e+00 : f32
    %broadcast_in_dim3A_262 = vector.broadcast %jit3A_261 : f32 to vector<16xf32>
    %select_n3A_263 = arith.select %and3A_260, %get3A_252, %broadcast_in_dim3A_262 : vector<16xi1>, vector<16xf32>
    %swap3A_264 = arith.constant 192 : index
    %swap3A_265 = tpu.vector_load %arg9[%swap3A_264] {strides = array<i32>} : memref<512xf32, #tpu.memory_space<vmem>>, vector<16xf32>,
    %swap3A_266 = vector.shape_cast %swap3A_265 : vector<16xf32> to vector<16xf32>
    %swap3A_267 = vector.shape_cast %select_n3A_263 : vector<16xf32> to vector<16xf32>
    tpu.vector_store %arg9[%swap3A_264], %swap3A_267 {strides = array<i32>} : memref<512xf32, #tpu.memory_space<vmem>>, vector<16xf32>,
    %get3A_268 = arith.constant 208 : index
    %get3A_269 = tpu.vector_load %arg6[%get3A_268] {strides = array<i32>} : memref<512xf32, #tpu.memory_space<vmem>>, vector<16xf32>,
    %get3A_270 = vector.shape_cast %get3A_269 : vector<16xf32> to vector<16xf32>
    %get3A_271 = arith.constant 208 : index
    %get3A_272 = tpu.vector_load %arg7[%get3A_271] {strides = array<i32>} : memref<512xf32, #tpu.memory_space<vmem>>, vector<16xf32>,
    %get3A_273 = vector.shape_cast %get3A_272 : vector<16xf32> to vector<16xf32>
    %get3A_274 = arith.constant 208 : index
    %get3A_275 = tpu.vector_load %arg8[%get3A_274] {strides = array<i32>} : memref<512xf32, #tpu.memory_space<vmem>>, vector<16xf32>,
    %get3A_276 = vector.shape_cast %get3A_275 : vector<16xf32> to vector<16xf32>
    %eq3A_277 = arith.cmpf oeq, %get3A_273, %get3A_270 : vector<16xf32>
    %gt3A_278 = arith.constant 8.500000e-01 : f32
    %gt3A_279 = vector.broadcast %gt3A_278 : f32 to vector<16xf32>
    %gt3A_280 = arith.cmpf ogt, %get3A_276, %gt3A_279 : vector<16xf32>
    %and3A_281 = arith.andi %eq3A_277, %gt3A_280 : vector<16xi1>
    %jit3A_282 = arith.constant -1.000000e+00 : f32
    %broadcast_in_dim3A_283 = vector.broadcast %jit3A_282 : f32 to vector<16xf32>
    %select_n3A_284 = arith.select %and3A_281, %get3A_273, %broadcast_in_dim3A_283 : vector<16xi1>, vector<16xf32>
    %swap3A_285 = arith.constant 208 : index
    %swap3A_286 = tpu.vector_load %arg9[%swap3A_285] {strides = array<i32>} : memref<512xf32, #tpu.memory_space<vmem>>, vector<16xf32>,
    %swap3A_287 = vector.shape_cast %swap3A_286 : vector<16xf32> to vector<16xf32>
    %swap3A_288 = vector.shape_cast %select_n3A_284 : vector<16xf32> to vector<16xf32>
    tpu.vector_store %arg9[%swap3A_285], %swap3A_288 {strides = array<i32>} : memref<512xf32, #tpu.memory_space<vmem>>, vector<16xf32>,
    %get3A_289 = arith.constant 224 : index
    %get3A_290 = tpu.vector_load %arg6[%get3A_289] {strides = array<i32>} : memref<512xf32, #tpu.memory_space<vmem>>, vector<16xf32>,
    %get3A_291 = vector.shape_cast %get3A_290 : vector<16xf32> to vector<16xf32>
    %get3A_292 = arith.constant 224 : index
    %get3A_293 = tpu.vector_load %arg7[%get3A_292] {strides = array<i32>} : memref<512xf32, #tpu.memory_space<vmem>>, vector<16xf32>,
    %get3A_294 = vector.shape_cast %get3A_293 : vector<16xf32> to vector<16xf32>
    %get3A_295 = arith.constant 224 : index
    %get3A_296 = tpu.vector_load %arg8[%get3A_295] {strides = array<i32>} : memref<512xf32, #tpu.memory_space<vmem>>, vector<16xf32>,
    %get3A_297 = vector.shape_cast %get3A_296 : vector<16xf32> to vector<16xf32>
    %eq3A_298 = arith.cmpf oeq, %get3A_294, %get3A_291 : vector<16xf32>
    %gt3A_299 = arith.constant 8.500000e-01 : f32
    %gt3A_300 = vector.broadcast %gt3A_299 : f32 to vector<16xf32>
    %gt3A_301 = arith.cmpf ogt, %get3A_297, %gt3A_300 : vector<16xf32>
    %and3A_302 = arith.andi %eq3A_298, %gt3A_301 : vector<16xi1>
    %jit3A_303 = arith.constant -1.000000e+00 : f32
    %broadcast_in_dim3A_304 = vector.broadcast %jit3A_303 : f32 to vector<16xf32>
    %select_n3A_305 = arith.select %and3A_302, %get3A_294, %broadcast_in_dim3A_304 : vector<16xi1>, vector<16xf32>
    %swap3A_306 = arith.constant 224 : index
    %swap3A_307 = tpu.vector_load %arg9[%swap3A_306] {strides = array<i32>} : memref<512xf32, #tpu.memory_space<vmem>>, vector<16xf32>,
    %swap3A_308 = vector.shape_cast %swap3A_307 : vector<16xf32> to vector<16xf32>
    %swap3A_309 = vector.shape_cast %select_n3A_305 : vector<16xf32> to vector<16xf32>
    tpu.vector_store %arg9[%swap3A_306], %swap3A_309 {strides = array<i32>} : memref<512xf32, #tpu.memory_space<vmem>>, vector<16xf32>,
    %get3A_310 = arith.constant 240 : index
    %get3A_311 = tpu.vector_load %arg6[%get3A_310] {strides = array<i32>} : memref<512xf32, #tpu.memory_space<vmem>>, vector<16xf32>,
    %get3A_312 = vector.shape_cast %get3A_311 : vector<16xf32> to vector<16xf32>
    %get3A_313 = arith.constant 240 : index
    %get3A_314 = tpu.vector_load %arg7[%get3A_313] {strides = array<i32>} : memref<512xf32, #tpu.memory_space<vmem>>, vector<16xf32>,
    %get3A_315 = vector.shape_cast %get3A_314 : vector<16xf32> to vector<16xf32>
    %get3A_316 = arith.constant 240 : index
    %get3A_317 = tpu.vector_load %arg8[%get3A_316] {strides = array<i32>} : memref<512xf32, #tpu.memory_space<vmem>>, vector<16xf32>,
    %get3A_318 = vector.shape_cast %get3A_317 : vector<16xf32> to vector<16xf32>
    %eq3A_319 = arith.cmpf oeq, %get3A_315, %get3A_312 : vector<16xf32>
    %gt3A_320 = arith.constant 8.500000e-01 : f32
    %gt3A_321 = vector.broadcast %gt3A_320 : f32 to vector<16xf32>
    %gt3A_322 = arith.cmpf ogt, %get3A_318, %gt3A_321 : vector<16xf32>
    %and3A_323 = arith.andi %eq3A_319, %gt3A_322 : vector<16xi1>
    %jit3A_324 = arith.constant -1.000000e+00 : f32
    %broadcast_in_dim3A_325 = vector.broadcast %jit3A_324 : f32 to vector<16xf32>
    %select_n3A_326 = arith.select %and3A_323, %get3A_315, %broadcast_in_dim3A_325 : vector<16xi1>, vector<16xf32>
    %swap3A_327 = arith.constant 240 : index
    %swap3A_328 = tpu.vector_load %arg9[%swap3A_327] {strides = array<i32>} : memref<512xf32, #tpu.memory_space<vmem>>, vector<16xf32>,
    %swap3A_329 = vector.shape_cast %swap3A_328 : vector<16xf32> to vector<16xf32>
    %swap3A_330 = vector.shape_cast %select_n3A_326 : vector<16xf32> to vector<16xf32>
    tpu.vector_store %arg9[%swap3A_327], %swap3A_330 {strides = array<i32>} : memref<512xf32, #tpu.memory_space<vmem>>, vector<16xf32>,
    %get3A_331 = arith.constant 256 : index
    %get3A_332 = tpu.vector_load %arg6[%get3A_331] {strides = array<i32>} : memref<512xf32, #tpu.memory_space<vmem>>, vector<16xf32>,
    %get3A_333 = vector.shape_cast %get3A_332 : vector<16xf32> to vector<16xf32>
    %get3A_334 = arith.constant 256 : index
    %get3A_335 = tpu.vector_load %arg7[%get3A_334] {strides = array<i32>} : memref<512xf32, #tpu.memory_space<vmem>>, vector<16xf32>,
    %get3A_336 = vector.shape_cast %get3A_335 : vector<16xf32> to vector<16xf32>
    %get3A_337 = arith.constant 256 : index
    %get3A_338 = tpu.vector_load %arg8[%get3A_337] {strides = array<i32>} : memref<512xf32, #tpu.memory_space<vmem>>, vector<16xf32>,
    %get3A_339 = vector.shape_cast %get3A_338 : vector<16xf32> to vector<16xf32>
    %eq3A_340 = arith.cmpf oeq, %get3A_336, %get3A_333 : vector<16xf32>
    %gt3A_341 = arith.constant 8.500000e-01 : f32
    %gt3A_342 = vector.broadcast %gt3A_341 : f32 to vector<16xf32>
    %gt3A_343 = arith.cmpf ogt, %get3A_339, %gt3A_342 : vector<16xf32>
    %and3A_344 = arith.andi %eq3A_340, %gt3A_343 : vector<16xi1>
    %jit3A_345 = arith.constant -1.000000e+00 : f32
    %broadcast_in_dim3A_346 = vector.broadcast %jit3A_345 : f32 to vector<16xf32>
    %select_n3A_347 = arith.select %and3A_344, %get3A_336, %broadcast_in_dim3A_346 : vector<16xi1>, vector<16xf32>
    %swap3A_348 = arith.constant 256 : index
    %swap3A_349 = tpu.vector_load %arg9[%swap3A_348] {strides = array<i32>} : memref<512xf32, #tpu.memory_space<vmem>>, vector<16xf32>,
    %swap3A_350 = vector.shape_cast %swap3A_349 : vector<16xf32> to vector<16xf32>
    %swap3A_351 = vector.shape_cast %select_n3A_347 : vector<16xf32> to vector<16xf32>
    tpu.vector_store %arg9[%swap3A_348], %swap3A_351 {strides = array<i32>} : memref<512xf32, #tpu.memory_space<vmem>>, vector<16xf32>,
    %get3A_352 = arith.constant 272 : index
    %get3A_353 = tpu.vector_load %arg6[%get3A_352] {strides = array<i32>} : memref<512xf32, #tpu.memory_space<vmem>>, vector<16xf32>,
    %get3A_354 = vector.shape_cast %get3A_353 : vector<16xf32> to vector<16xf32>
    %get3A_355 = arith.constant 272 : index
    %get3A_356 = tpu.vector_load %arg7[%get3A_355] {strides = array<i32>} : memref<512xf32, #tpu.memory_space<vmem>>, vector<16xf32>,
    %get3A_357 = vector.shape_cast %get3A_356 : vector<16xf32> to vector<16xf32>
    %get3A_358 = arith.constant 272 : index
    %get3A_359 = tpu.vector_load %arg8[%get3A_358] {strides = array<i32>} : memref<512xf32, #tpu.memory_space<vmem>>, vector<16xf32>,
    %get3A_360 = vector.shape_cast %get3A_359 : vector<16xf32> to vector<16xf32>
    %eq3A_361 = arith.cmpf oeq, %get3A_357, %get3A_354 : vector<16xf32>
    %gt3A_362 = arith.constant 8.500000e-01 : f32
    %gt3A_363 = vector.broadcast %gt3A_362 : f32 to vector<16xf32>
    %gt3A_364 = arith.cmpf ogt, %get3A_360, %gt3A_363 : vector<16xf32>
    %and3A_365 = arith.andi %eq3A_361, %gt3A_364 : vector<16xi1>
    %jit3A_366 = arith.constant -1.000000e+00 : f32
    %broadcast_in_dim3A_367 = vector.broadcast %jit3A_366 : f32 to vector<16xf32>
    %select_n3A_368 = arith.select %and3A_365, %get3A_357, %broadcast_in_dim3A_367 : vector<16xi1>, vector<16xf32>
    %swap3A_369 = arith.constant 272 : index
    %swap3A_370 = tpu.vector_load %arg9[%swap3A_369] {strides = array<i32>} : memref<512xf32, #tpu.memory_space<vmem>>, vector<16xf32>,
    %swap3A_371 = vector.shape_cast %swap3A_370 : vector<16xf32> to vector<16xf32>
    %swap3A_372 = vector.shape_cast %select_n3A_368 : vector<16xf32> to vector<16xf32>
    tpu.vector_store %arg9[%swap3A_369], %swap3A_372 {strides = array<i32>} : memref<512xf32, #tpu.memory_space<vmem>>, vector<16xf32>,
    %get3A_373 = arith.constant 288 : index
    %get3A_374 = tpu.vector_load %arg6[%get3A_373] {strides = array<i32>} : memref<512xf32, #tpu.memory_space<vmem>>, vector<16xf32>,
    %get3A_375 = vector.shape_cast %get3A_374 : vector<16xf32> to vector<16xf32>
    %get3A_376 = arith.constant 288 : index
    %get3A_377 = tpu.vector_load %arg7[%get3A_376] {strides = array<i32>} : memref<512xf32, #tpu.memory_space<vmem>>, vector<16xf32>,
    %get3A_378 = vector.shape_cast %get3A_377 : vector<16xf32> to vector<16xf32>
    %get3A_379 = arith.constant 288 : index
    %get3A_380 = tpu.vector_load %arg8[%get3A_379] {strides = array<i32>} : memref<512xf32, #tpu.memory_space<vmem>>, vector<16xf32>,
    %get3A_381 = vector.shape_cast %get3A_380 : vector<16xf32> to vector<16xf32>
    %eq3A_382 = arith.cmpf oeq, %get3A_378, %get3A_375 : vector<16xf32>
    %gt3A_383 = arith.constant 8.500000e-01 : f32
    %gt3A_384 = vector.broadcast %gt3A_383 : f32 to vector<16xf32>
    %gt3A_385 = arith.cmpf ogt, %get3A_381, %gt3A_384 : vector<16xf32>
    %and3A_386 = arith.andi %eq3A_382, %gt3A_385 : vector<16xi1>
    %jit3A_387 = arith.constant -1.000000e+00 : f32
    %broadcast_in_dim3A_388 = vector.broadcast %jit3A_387 : f32 to vector<16xf32>
    %select_n3A_389 = arith.select %and3A_386, %get3A_378, %broadcast_in_dim3A_388 : vector<16xi1>, vector<16xf32>
    %swap3A_390 = arith.constant 288 : index
    %swap3A_391 = tpu.vector_load %arg9[%swap3A_390] {strides = array<i32>} : memref<512xf32, #tpu.memory_space<vmem>>, vector<16xf32>,
    %swap3A_392 = vector.shape_cast %swap3A_391 : vector<16xf32> to vector<16xf32>
    %swap3A_393 = vector.shape_cast %select_n3A_389 : vector<16xf32> to vector<16xf32>
    tpu.vector_store %arg9[%swap3A_390], %swap3A_393 {strides = array<i32>} : memref<512xf32, #tpu.memory_space<vmem>>, vector<16xf32>,
    %get3A_394 = arith.constant 304 : index
    %get3A_395 = tpu.vector_load %arg6[%get3A_394] {strides = array<i32>} : memref<512xf32, #tpu.memory_space<vmem>>, vector<16xf32>,
    %get3A_396 = vector.shape_cast %get3A_395 : vector<16xf32> to vector<16xf32>
    %get3A_397 = arith.constant 304 : index
    %get3A_398 = tpu.vector_load %arg7[%get3A_397] {strides = array<i32>} : memref<512xf32, #tpu.memory_space<vmem>>, vector<16xf32>,
    %get3A_399 = vector.shape_cast %get3A_398 : vector<16xf32> to vector<16xf32>
    %get3A_400 = arith.constant 304 : index
    %get3A_401 = tpu.vector_load %arg8[%get3A_400] {strides = array<i32>} : memref<512xf32, #tpu.memory_space<vmem>>, vector<16xf32>,
    %get3A_402 = vector.shape_cast %get3A_401 : vector<16xf32> to vector<16xf32>
    %eq3A_403 = arith.cmpf oeq, %get3A_399, %get3A_396 : vector<16xf32>
    %gt3A_404 = arith.constant 8.500000e-01 : f32
    %gt3A_405 = vector.broadcast %gt3A_404 : f32 to vector<16xf32>
    %gt3A_406 = arith.cmpf ogt, %get3A_402, %gt3A_405 : vector<16xf32>
    %and3A_407 = arith.andi %eq3A_403, %gt3A_406 : vector<16xi1>
    %jit3A_408 = arith.constant -1.000000e+00 : f32
    %broadcast_in_dim3A_409 = vector.broadcast %jit3A_408 : f32 to vector<16xf32>
    %select_n3A_410 = arith.select %and3A_407, %get3A_399, %broadcast_in_dim3A_409 : vector<16xi1>, vector<16xf32>
    %swap3A_411 = arith.constant 304 : index
    %swap3A_412 = tpu.vector_load %arg9[%swap3A_411] {strides = array<i32>} : memref<512xf32, #tpu.memory_space<vmem>>, vector<16xf32>,
    %swap3A_413 = vector.shape_cast %swap3A_412 : vector<16xf32> to vector<16xf32>
    %swap3A_414 = vector.shape_cast %select_n3A_410 : vector<16xf32> to vector<16xf32>
    tpu.vector_store %arg9[%swap3A_411], %swap3A_414 {strides = array<i32>} : memref<512xf32, #tpu.memory_space<vmem>>, vector<16xf32>,
    %get3A_415 = arith.constant 320 : index
    %get3A_416 = tpu.vector_load %arg6[%get3A_415] {strides = array<i32>} : memref<512xf32, #tpu.memory_space<vmem>>, vector<16xf32>,
    %get3A_417 = vector.shape_cast %get3A_416 : vector<16xf32> to vector<16xf32>
    %get3A_418 = arith.constant 320 : index
    %get3A_419 = tpu.vector_load %arg7[%get3A_418] {strides = array<i32>} : memref<512xf32, #tpu.memory_space<vmem>>, vector<16xf32>,
    %get3A_420 = vector.shape_cast %get3A_419 : vector<16xf32> to vector<16xf32>
    %get3A_421 = arith.constant 320 : index
    %get3A_422 = tpu.vector_load %arg8[%get3A_421] {strides = array<i32>} : memref<512xf32, #tpu.memory_space<vmem>>, vector<16xf32>,
    %get3A_423 = vector.shape_cast %get3A_422 : vector<16xf32> to vector<16xf32>
    %eq3A_424 = arith.cmpf oeq, %get3A_420, %get3A_417 : vector<16xf32>
    %gt3A_425 = arith.constant 8.500000e-01 : f32
    %gt3A_426 = vector.broadcast %gt3A_425 : f32 to vector<16xf32>
    %gt3A_427 = arith.cmpf ogt, %get3A_423, %gt3A_426 : vector<16xf32>
    %and3A_428 = arith.andi %eq3A_424, %gt3A_427 : vector<16xi1>
    %jit3A_429 = arith.constant -1.000000e+00 : f32
    %broadcast_in_dim3A_430 = vector.broadcast %jit3A_429 : f32 to vector<16xf32>
    %select_n3A_431 = arith.select %and3A_428, %get3A_420, %broadcast_in_dim3A_430 : vector<16xi1>, vector<16xf32>
    %swap3A_432 = arith.constant 320 : index
    %swap3A_433 = tpu.vector_load %arg9[%swap3A_432] {strides = array<i32>} : memref<512xf32, #tpu.memory_space<vmem>>, vector<16xf32>,
    %swap3A_434 = vector.shape_cast %swap3A_433 : vector<16xf32> to vector<16xf32>
    %swap3A_435 = vector.shape_cast %select_n3A_431 : vector<16xf32> to vector<16xf32>
    tpu.vector_store %arg9[%swap3A_432], %swap3A_435 {strides = array<i32>} : memref<512xf32, #tpu.memory_space<vmem>>, vector<16xf32>,
    %get3A_436 = arith.constant 336 : index
    %get3A_437 = tpu.vector_load %arg6[%get3A_436] {strides = array<i32>} : memref<512xf32, #tpu.memory_space<vmem>>, vector<16xf32>,
    %get3A_438 = vector.shape_cast %get3A_437 : vector<16xf32> to vector<16xf32>
    %get3A_439 = arith.constant 336 : index
    %get3A_440 = tpu.vector_load %arg7[%get3A_439] {strides = array<i32>} : memref<512xf32, #tpu.memory_space<vmem>>, vector<16xf32>,
    %get3A_441 = vector.shape_cast %get3A_440 : vector<16xf32> to vector<16xf32>
    %get3A_442 = arith.constant 336 : index
    %get3A_443 = tpu.vector_load %arg8[%get3A_442] {strides = array<i32>} : memref<512xf32, #tpu.memory_space<vmem>>, vector<16xf32>,
    %get3A_444 = vector.shape_cast %get3A_443 : vector<16xf32> to vector<16xf32>
    %eq3A_445 = arith.cmpf oeq, %get3A_441, %get3A_438 : vector<16xf32>
    %gt3A_446 = arith.constant 8.500000e-01 : f32
    %gt3A_447 = vector.broadcast %gt3A_446 : f32 to vector<16xf32>
    %gt3A_448 = arith.cmpf ogt, %get3A_444, %gt3A_447 : vector<16xf32>
    %and3A_449 = arith.andi %eq3A_445, %gt3A_448 : vector<16xi1>
    %jit3A_450 = arith.constant -1.000000e+00 : f32
    %broadcast_in_dim3A_451 = vector.broadcast %jit3A_450 : f32 to vector<16xf32>
    %select_n3A_452 = arith.select %and3A_449, %get3A_441, %broadcast_in_dim3A_451 : vector<16xi1>, vector<16xf32>
    %swap3A_453 = arith.constant 336 : index
    %swap3A_454 = tpu.vector_load %arg9[%swap3A_453] {strides = array<i32>} : memref<512xf32, #tpu.memory_space<vmem>>, vector<16xf32>,
    %swap3A_455 = vector.shape_cast %swap3A_454 : vector<16xf32> to vector<16xf32>
    %swap3A_456 = vector.shape_cast %select_n3A_452 : vector<16xf32> to vector<16xf32>
    tpu.vector_store %arg9[%swap3A_453], %swap3A_456 {strides = array<i32>} : memref<512xf32, #tpu.memory_space<vmem>>, vector<16xf32>,
    %get3A_457 = arith.constant 352 : index
    %get3A_458 = tpu.vector_load %arg6[%get3A_457] {strides = array<i32>} : memref<512xf32, #tpu.memory_space<vmem>>, vector<16xf32>,
    %get3A_459 = vector.shape_cast %get3A_458 : vector<16xf32> to vector<16xf32>
    %get3A_460 = arith.constant 352 : index
    %get3A_461 = tpu.vector_load %arg7[%get3A_460] {strides = array<i32>} : memref<512xf32, #tpu.memory_space<vmem>>, vector<16xf32>,
    %get3A_462 = vector.shape_cast %get3A_461 : vector<16xf32> to vector<16xf32>
    %get3A_463 = arith.constant 352 : index
    %get3A_464 = tpu.vector_load %arg8[%get3A_463] {strides = array<i32>} : memref<512xf32, #tpu.memory_space<vmem>>, vector<16xf32>,
    %get3A_465 = vector.shape_cast %get3A_464 : vector<16xf32> to vector<16xf32>
    %eq3A_466 = arith.cmpf oeq, %get3A_462, %get3A_459 : vector<16xf32>
    %gt3A_467 = arith.constant 8.500000e-01 : f32
    %gt3A_468 = vector.broadcast %gt3A_467 : f32 to vector<16xf32>
    %gt3A_469 = arith.cmpf ogt, %get3A_465, %gt3A_468 : vector<16xf32>
    %and3A_470 = arith.andi %eq3A_466, %gt3A_469 : vector<16xi1>
    %jit3A_471 = arith.constant -1.000000e+00 : f32
    %broadcast_in_dim3A_472 = vector.broadcast %jit3A_471 : f32 to vector<16xf32>
    %select_n3A_473 = arith.select %and3A_470, %get3A_462, %broadcast_in_dim3A_472 : vector<16xi1>, vector<16xf32>
    %swap3A_474 = arith.constant 352 : index
    %swap3A_475 = tpu.vector_load %arg9[%swap3A_474] {strides = array<i32>} : memref<512xf32, #tpu.memory_space<vmem>>, vector<16xf32>,
    %swap3A_476 = vector.shape_cast %swap3A_475 : vector<16xf32> to vector<16xf32>
    %swap3A_477 = vector.shape_cast %select_n3A_473 : vector<16xf32> to vector<16xf32>
    tpu.vector_store %arg9[%swap3A_474], %swap3A_477 {strides = array<i32>} : memref<512xf32, #tpu.memory_space<vmem>>, vector<16xf32>,
    %get3A_478 = arith.constant 368 : index
    %get3A_479 = tpu.vector_load %arg6[%get3A_478] {strides = array<i32>} : memref<512xf32, #tpu.memory_space<vmem>>, vector<16xf32>,
    %get3A_480 = vector.shape_cast %get3A_479 : vector<16xf32> to vector<16xf32>
    %get3A_481 = arith.constant 368 : index
    %get3A_482 = tpu.vector_load %arg7[%get3A_481] {strides = array<i32>} : memref<512xf32, #tpu.memory_space<vmem>>, vector<16xf32>,
    %get3A_483 = vector.shape_cast %get3A_482 : vector<16xf32> to vector<16xf32>
    %get3A_484 = arith.constant 368 : index
    %get3A_485 = tpu.vector_load %arg8[%get3A_484] {strides = array<i32>} : memref<512xf32, #tpu.memory_space<vmem>>, vector<16xf32>,
    %get3A_486 = vector.shape_cast %get3A_485 : vector<16xf32> to vector<16xf32>
    %eq3A_487 = arith.cmpf oeq, %get3A_483, %get3A_480 : vector<16xf32>
    %gt3A_488 = arith.constant 8.500000e-01 : f32
    %gt3A_489 = vector.broadcast %gt3A_488 : f32 to vector<16xf32>
    %gt3A_490 = arith.cmpf ogt, %get3A_486, %gt3A_489 : vector<16xf32>
    %and3A_491 = arith.andi %eq3A_487, %gt3A_490 : vector<16xi1>
    %jit3A_492 = arith.constant -1.000000e+00 : f32
    %broadcast_in_dim3A_493 = vector.broadcast %jit3A_492 : f32 to vector<16xf32>
    %select_n3A_494 = arith.select %and3A_491, %get3A_483, %broadcast_in_dim3A_493 : vector<16xi1>, vector<16xf32>
    %swap3A_495 = arith.constant 368 : index
    %swap3A_496 = tpu.vector_load %arg9[%swap3A_495] {strides = array<i32>} : memref<512xf32, #tpu.memory_space<vmem>>, vector<16xf32>,
    %swap3A_497 = vector.shape_cast %swap3A_496 : vector<16xf32> to vector<16xf32>
    %swap3A_498 = vector.shape_cast %select_n3A_494 : vector<16xf32> to vector<16xf32>
    tpu.vector_store %arg9[%swap3A_495], %swap3A_498 {strides = array<i32>} : memref<512xf32, #tpu.memory_space<vmem>>, vector<16xf32>,
    %get3A_499 = arith.constant 384 : index
    %get3A_500 = tpu.vector_load %arg6[%get3A_499] {strides = array<i32>} : memref<512xf32, #tpu.memory_space<vmem>>, vector<16xf32>,
    %get3A_501 = vector.shape_cast %get3A_500 : vector<16xf32> to vector<16xf32>
    %get3A_502 = arith.constant 384 : index
    %get3A_503 = tpu.vector_load %arg7[%get3A_502] {strides = array<i32>} : memref<512xf32, #tpu.memory_space<vmem>>, vector<16xf32>,
    %get3A_504 = vector.shape_cast %get3A_503 : vector<16xf32> to vector<16xf32>
    %get3A_505 = arith.constant 384 : index
    %get3A_506 = tpu.vector_load %arg8[%get3A_505] {strides = array<i32>} : memref<512xf32, #tpu.memory_space<vmem>>, vector<16xf32>,
    %get3A_507 = vector.shape_cast %get3A_506 : vector<16xf32> to vector<16xf32>
    %eq3A_508 = arith.cmpf oeq, %get3A_504, %get3A_501 : vector<16xf32>
    %gt3A_509 = arith.constant 8.500000e-01 : f32
    %gt3A_510 = vector.broadcast %gt3A_509 : f32 to vector<16xf32>
    %gt3A_511 = arith.cmpf ogt, %get3A_507, %gt3A_510 : vector<16xf32>
    %and3A_512 = arith.andi %eq3A_508, %gt3A_511 : vector<16xi1>
    %jit3A_513 = arith.constant -1.000000e+00 : f32
    %broadcast_in_dim3A_514 = vector.broadcast %jit3A_513 : f32 to vector<16xf32>
    %select_n3A_515 = arith.select %and3A_512, %get3A_504, %broadcast_in_dim3A_514 : vector<16xi1>, vector<16xf32>
    %swap3A_516 = arith.constant 384 : index
    %swap3A_517 = tpu.vector_load %arg9[%swap3A_516] {strides = array<i32>} : memref<512xf32, #tpu.memory_space<vmem>>, vector<16xf32>,
    %swap3A_518 = vector.shape_cast %swap3A_517 : vector<16xf32> to vector<16xf32>
    %swap3A_519 = vector.shape_cast %select_n3A_515 : vector<16xf32> to vector<16xf32>
    tpu.vector_store %arg9[%swap3A_516], %swap3A_519 {strides = array<i32>} : memref<512xf32, #tpu.memory_space<vmem>>, vector<16xf32>,
    %get3A_520 = arith.constant 400 : index
    %get3A_521 = tpu.vector_load %arg6[%get3A_520] {strides = array<i32>} : memref<512xf32, #tpu.memory_space<vmem>>, vector<16xf32>,
    %get3A_522 = vector.shape_cast %get3A_521 : vector<16xf32> to vector<16xf32>
    %get3A_523 = arith.constant 400 : index
    %get3A_524 = tpu.vector_load %arg7[%get3A_523] {strides = array<i32>} : memref<512xf32, #tpu.memory_space<vmem>>, vector<16xf32>,
    %get3A_525 = vector.shape_cast %get3A_524 : vector<16xf32> to vector<16xf32>
    %get3A_526 = arith.constant 400 : index
    %get3A_527 = tpu.vector_load %arg8[%get3A_526] {strides = array<i32>} : memref<512xf32, #tpu.memory_space<vmem>>, vector<16xf32>,
    %get3A_528 = vector.shape_cast %get3A_527 : vector<16xf32> to vector<16xf32>
    %eq3A_529 = arith.cmpf oeq, %get3A_525, %get3A_522 : vector<16xf32>
    %gt3A_530 = arith.constant 8.500000e-01 : f32
    %gt3A_531 = vector.broadcast %gt3A_530 : f32 to vector<16xf32>
    %gt3A_532 = arith.cmpf ogt, %get3A_528, %gt3A_531 : vector<16xf32>
    %and3A_533 = arith.andi %eq3A_529, %gt3A_532 : vector<16xi1>
    %jit3A_534 = arith.constant -1.000000e+00 : f32
    %broadcast_in_dim3A_535 = vector.broadcast %jit3A_534 : f32 to vector<16xf32>
    %select_n3A_536 = arith.select %and3A_533, %get3A_525, %broadcast_in_dim3A_535 : vector<16xi1>, vector<16xf32>
    %swap3A_537 = arith.constant 400 : index
    %swap3A_538 = tpu.vector_load %arg9[%swap3A_537] {strides = array<i32>} : memref<512xf32, #tpu.memory_space<vmem>>, vector<16xf32>,
    %swap3A_539 = vector.shape_cast %swap3A_538 : vector<16xf32> to vector<16xf32>
    %swap3A_540 = vector.shape_cast %select_n3A_536 : vector<16xf32> to vector<16xf32>
    tpu.vector_store %arg9[%swap3A_537], %swap3A_540 {strides = array<i32>} : memref<512xf32, #tpu.memory_space<vmem>>, vector<16xf32>,
    %get3A_541 = arith.constant 416 : index
    %get3A_542 = tpu.vector_load %arg6[%get3A_541] {strides = array<i32>} : memref<512xf32, #tpu.memory_space<vmem>>, vector<16xf32>,
    %get3A_543 = vector.shape_cast %get3A_542 : vector<16xf32> to vector<16xf32>
    %get3A_544 = arith.constant 416 : index
    %get3A_545 = tpu.vector_load %arg7[%get3A_544] {strides = array<i32>} : memref<512xf32, #tpu.memory_space<vmem>>, vector<16xf32>,
    %get3A_546 = vector.shape_cast %get3A_545 : vector<16xf32> to vector<16xf32>
    %get3A_547 = arith.constant 416 : index
    %get3A_548 = tpu.vector_load %arg8[%get3A_547] {strides = array<i32>} : memref<512xf32, #tpu.memory_space<vmem>>, vector<16xf32>,
    %get3A_549 = vector.shape_cast %get3A_548 : vector<16xf32> to vector<16xf32>
    %eq3A_550 = arith.cmpf oeq, %get3A_546, %get3A_543 : vector<16xf32>
    %gt3A_551 = arith.constant 8.500000e-01 : f32
    %gt3A_552 = vector.broadcast %gt3A_551 : f32 to vector<16xf32>
    %gt3A_553 = arith.cmpf ogt, %get3A_549, %gt3A_552 : vector<16xf32>
    %and3A_554 = arith.andi %eq3A_550, %gt3A_553 : vector<16xi1>
    %jit3A_555 = arith.constant -1.000000e+00 : f32
    %broadcast_in_dim3A_556 = vector.broadcast %jit3A_555 : f32 to vector<16xf32>
    %select_n3A_557 = arith.select %and3A_554, %get3A_546, %broadcast_in_dim3A_556 : vector<16xi1>, vector<16xf32>
    %swap3A_558 = arith.constant 416 : index
    %swap3A_559 = tpu.vector_load %arg9[%swap3A_558] {strides = array<i32>} : memref<512xf32, #tpu.memory_space<vmem>>, vector<16xf32>,
    %swap3A_560 = vector.shape_cast %swap3A_559 : vector<16xf32> to vector<16xf32>
    %swap3A_561 = vector.shape_cast %select_n3A_557 : vector<16xf32> to vector<16xf32>
    tpu.vector_store %arg9[%swap3A_558], %swap3A_561 {strides = array<i32>} : memref<512xf32, #tpu.memory_space<vmem>>, vector<16xf32>,
    %get3A_562 = arith.constant 432 : index
    %get3A_563 = tpu.vector_load %arg6[%get3A_562] {strides = array<i32>} : memref<512xf32, #tpu.memory_space<vmem>>, vector<16xf32>,
    %get3A_564 = vector.shape_cast %get3A_563 : vector<16xf32> to vector<16xf32>
    %get3A_565 = arith.constant 432 : index
    %get3A_566 = tpu.vector_load %arg7[%get3A_565] {strides = array<i32>} : memref<512xf32, #tpu.memory_space<vmem>>, vector<16xf32>,
    %get3A_567 = vector.shape_cast %get3A_566 : vector<16xf32> to vector<16xf32>
    %get3A_568 = arith.constant 432 : index
    %get3A_569 = tpu.vector_load %arg8[%get3A_568] {strides = array<i32>} : memref<512xf32, #tpu.memory_space<vmem>>, vector<16xf32>,
    %get3A_570 = vector.shape_cast %get3A_569 : vector<16xf32> to vector<16xf32>
    %eq3A_571 = arith.cmpf oeq, %get3A_567, %get3A_564 : vector<16xf32>
    %gt3A_572 = arith.constant 8.500000e-01 : f32
    %gt3A_573 = vector.broadcast %gt3A_572 : f32 to vector<16xf32>
    %gt3A_574 = arith.cmpf ogt, %get3A_570, %gt3A_573 : vector<16xf32>
    %and3A_575 = arith.andi %eq3A_571, %gt3A_574 : vector<16xi1>
    %jit3A_576 = arith.constant -1.000000e+00 : f32
    %broadcast_in_dim3A_577 = vector.broadcast %jit3A_576 : f32 to vector<16xf32>
    %select_n3A_578 = arith.select %and3A_575, %get3A_567, %broadcast_in_dim3A_577 : vector<16xi1>, vector<16xf32>
    %swap3A_579 = arith.constant 432 : index
    %swap3A_580 = tpu.vector_load %arg9[%swap3A_579] {strides = array<i32>} : memref<512xf32, #tpu.memory_space<vmem>>, vector<16xf32>,
    %swap3A_581 = vector.shape_cast %swap3A_580 : vector<16xf32> to vector<16xf32>
    %swap3A_582 = vector.shape_cast %select_n3A_578 : vector<16xf32> to vector<16xf32>
    tpu.vector_store %arg9[%swap3A_579], %swap3A_582 {strides = array<i32>} : memref<512xf32, #tpu.memory_space<vmem>>, vector<16xf32>,
    %get3A_583 = arith.constant 448 : index
    %get3A_584 = tpu.vector_load %arg6[%get3A_583] {strides = array<i32>} : memref<512xf32, #tpu.memory_space<vmem>>, vector<16xf32>,
    %get3A_585 = vector.shape_cast %get3A_584 : vector<16xf32> to vector<16xf32>
    %get3A_586 = arith.constant 448 : index
    %get3A_587 = tpu.vector_load %arg7[%get3A_586] {strides = array<i32>} : memref<512xf32, #tpu.memory_space<vmem>>, vector<16xf32>,
    %get3A_588 = vector.shape_cast %get3A_587 : vector<16xf32> to vector<16xf32>
    %get3A_589 = arith.constant 448 : index
    %get3A_590 = tpu.vector_load %arg8[%get3A_589] {strides = array<i32>} : memref<512xf32, #tpu.memory_space<vmem>>, vector<16xf32>,
    %get3A_591 = vector.shape_cast %get3A_590 : vector<16xf32> to vector<16xf32>
    %eq3A_592 = arith.cmpf oeq, %get3A_588, %get3A_585 : vector<16xf32>
    %gt3A_593 = arith.constant 8.500000e-01 : f32
    %gt3A_594 = vector.broadcast %gt3A_593 : f32 to vector<16xf32>
    %gt3A_595 = arith.cmpf ogt, %get3A_591, %gt3A_594 : vector<16xf32>
    %and3A_596 = arith.andi %eq3A_592, %gt3A_595 : vector<16xi1>
    %jit3A_597 = arith.constant -1.000000e+00 : f32
    %broadcast_in_dim3A_598 = vector.broadcast %jit3A_597 : f32 to vector<16xf32>
    %select_n3A_599 = arith.select %and3A_596, %get3A_588, %broadcast_in_dim3A_598 : vector<16xi1>, vector<16xf32>
    %swap3A_600 = arith.constant 448 : index
    %swap3A_601 = tpu.vector_load %arg9[%swap3A_600] {strides = array<i32>} : memref<512xf32, #tpu.memory_space<vmem>>, vector<16xf32>,
    %swap3A_602 = vector.shape_cast %swap3A_601 : vector<16xf32> to vector<16xf32>
    %swap3A_603 = vector.shape_cast %select_n3A_599 : vector<16xf32> to vector<16xf32>
    tpu.vector_store %arg9[%swap3A_600], %swap3A_603 {strides = array<i32>} : memref<512xf32, #tpu.memory_space<vmem>>, vector<16xf32>,
    %get3A_604 = arith.constant 464 : index
    %get3A_605 = tpu.vector_load %arg6[%get3A_604] {strides = array<i32>} : memref<512xf32, #tpu.memory_space<vmem>>, vector<16xf32>,
    %get3A_606 = vector.shape_cast %get3A_605 : vector<16xf32> to vector<16xf32>
    %get3A_607 = arith.constant 464 : index
    %get3A_608 = tpu.vector_load %arg7[%get3A_607] {strides = array<i32>} : memref<512xf32, #tpu.memory_space<vmem>>, vector<16xf32>,
    %get3A_609 = vector.shape_cast %get3A_608 : vector<16xf32> to vector<16xf32>
    %get3A_610 = arith.constant 464 : index
    %get3A_611 = tpu.vector_load %arg8[%get3A_610] {strides = array<i32>} : memref<512xf32, #tpu.memory_space<vmem>>, vector<16xf32>,
    %get3A_612 = vector.shape_cast %get3A_611 : vector<16xf32> to vector<16xf32>
    %eq3A_613 = arith.cmpf oeq, %get3A_609, %get3A_606 : vector<16xf32>
    %gt3A_614 = arith.constant 8.500000e-01 : f32
    %gt3A_615 = vector.broadcast %gt3A_614 : f32 to vector<16xf32>
    %gt3A_616 = arith.cmpf ogt, %get3A_612, %gt3A_615 : vector<16xf32>
    %and3A_617 = arith.andi %eq3A_613, %gt3A_616 : vector<16xi1>
    %jit3A_618 = arith.constant -1.000000e+00 : f32
    %broadcast_in_dim3A_619 = vector.broadcast %jit3A_618 : f32 to vector<16xf32>
    %select_n3A_620 = arith.select %and3A_617, %get3A_609, %broadcast_in_dim3A_619 : vector<16xi1>, vector<16xf32>
    %swap3A_621 = arith.constant 464 : index
    %swap3A_622 = tpu.vector_load %arg9[%swap3A_621] {strides = array<i32>} : memref<512xf32, #tpu.memory_space<vmem>>, vector<16xf32>,
    %swap3A_623 = vector.shape_cast %swap3A_622 : vector<16xf32> to vector<16xf32>
    %swap3A_624 = vector.shape_cast %select_n3A_620 : vector<16xf32> to vector<16xf32>
    tpu.vector_store %arg9[%swap3A_621], %swap3A_624 {strides = array<i32>} : memref<512xf32, #tpu.memory_space<vmem>>, vector<16xf32>,
    %get3A_625 = arith.constant 480 : index
    %get3A_626 = tpu.vector_load %arg6[%get3A_625] {strides = array<i32>} : memref<512xf32, #tpu.memory_space<vmem>>, vector<16xf32>,
    %get3A_627 = vector.shape_cast %get3A_626 : vector<16xf32> to vector<16xf32>
    %get3A_628 = arith.constant 480 : index
    %get3A_629 = tpu.vector_load %arg7[%get3A_628] {strides = array<i32>} : memref<512xf32, #tpu.memory_space<vmem>>, vector<16xf32>,
    %get3A_630 = vector.shape_cast %get3A_629 : vector<16xf32> to vector<16xf32>
    %get3A_631 = arith.constant 480 : index
    %get3A_632 = tpu.vector_load %arg8[%get3A_631] {strides = array<i32>} : memref<512xf32, #tpu.memory_space<vmem>>, vector<16xf32>,
    %get3A_633 = vector.shape_cast %get3A_632 : vector<16xf32> to vector<16xf32>
    %eq3A_634 = arith.cmpf oeq, %get3A_630, %get3A_627 : vector<16xf32>
    %gt3A_635 = arith.constant 8.500000e-01 : f32
    %gt3A_636 = vector.broadcast %gt3A_635 : f32 to vector<16xf32>
    %gt3A_637 = arith.cmpf ogt, %get3A_633, %gt3A_636 : vector<16xf32>
    %and3A_638 = arith.andi %eq3A_634, %gt3A_637 : vector<16xi1>
    %jit3A_639 = arith.constant -1.000000e+00 : f32
    %broadcast_in_dim3A_640 = vector.broadcast %jit3A_639 : f32 to vector<16xf32>
    %select_n3A_641 = arith.select %and3A_638, %get3A_630, %broadcast_in_dim3A_640 : vector<16xi1>, vector<16xf32>
    %swap3A_642 = arith.constant 480 : index
    %swap3A_643 = tpu.vector_load %arg9[%swap3A_642] {strides = array<i32>} : memref<512xf32, #tpu.memory_space<vmem>>, vector<16xf32>,
    %swap3A_644 = vector.shape_cast %swap3A_643 : vector<16xf32> to vector<16xf32>
    %swap3A_645 = vector.shape_cast %select_n3A_641 : vector<16xf32> to vector<16xf32>
    tpu.vector_store %arg9[%swap3A_642], %swap3A_645 {strides = array<i32>} : memref<512xf32, #tpu.memory_space<vmem>>, vector<16xf32>,
    %get3A_646 = arith.constant 496 : index
    %get3A_647 = tpu.vector_load %arg6[%get3A_646] {strides = array<i32>} : memref<512xf32, #tpu.memory_space<vmem>>, vector<16xf32>,
    %get3A_648 = vector.shape_cast %get3A_647 : vector<16xf32> to vector<16xf32>
    %get3A_649 = arith.constant 496 : index
    %get3A_650 = tpu.vector_load %arg7[%get3A_649] {strides = array<i32>} : memref<512xf32, #tpu.memory_space<vmem>>, vector<16xf32>,
    %get3A_651 = vector.shape_cast %get3A_650 : vector<16xf32> to vector<16xf32>
    %get3A_652 = arith.constant 496 : index
    %get3A_653 = tpu.vector_load %arg8[%get3A_652] {strides = array<i32>} : memref<512xf32, #tpu.memory_space<vmem>>, vector<16xf32>,
    %get3A_654 = vector.shape_cast %get3A_653 : vector<16xf32> to vector<16xf32>
    %eq3A_655 = arith.cmpf oeq, %get3A_651, %get3A_648 : vector<16xf32>
    %gt3A_656 = arith.constant 8.500000e-01 : f32
    %gt3A_657 = vector.broadcast %gt3A_656 : f32 to vector<16xf32>
    %gt3A_658 = arith.cmpf ogt, %get3A_654, %gt3A_657 : vector<16xf32>
    %and3A_659 = arith.andi %eq3A_655, %gt3A_658 : vector<16xi1>
    %jit3A_660 = arith.constant -1.000000e+00 : f32
    %broadcast_in_dim3A_661 = vector.broadcast %jit3A_660 : f32 to vector<16xf32>
    %select_n3A_662 = arith.select %and3A_659, %get3A_651, %broadcast_in_dim3A_661 : vector<16xi1>, vector<16xf32>
    %swap3A_663 = arith.constant 496 : index
    %swap3A_664 = tpu.vector_load %arg9[%swap3A_663] {strides = array<i32>} : memref<512xf32, #tpu.memory_space<vmem>>, vector<16xf32>,
    %swap3A_665 = vector.shape_cast %swap3A_664 : vector<16xf32> to vector<16xf32>
    %swap3A_666 = vector.shape_cast %select_n3A_662 : vector<16xf32> to vector<16xf32>
    tpu.vector_store %arg9[%swap3A_663], %swap3A_666 {strides = array<i32>} : memref<512xf32, #tpu.memory_space<vmem>>, vector<16xf32>,
    "tpu.region"() ({
      %run_scoped3A = tpu.sem_alloc : memref<!tpu.dma_semaphore, #tpu.memory_space<semaphore_mem>>
      %dma_start3A = tpu.memref_slice %arg5[%mul3A_2] : memref<16384xf32, #tpu.memory_space<hbm>> -> memref<512xf32, #tpu.memory_space<hbm>>
      %dma_start3A_667 = tpu.memref_slice %arg5[%mul3A_2] : memref<16384xf32, #tpu.memory_space<hbm>> -> memref<512xf32, #tpu.memory_space<hbm>>
      tpu.enqueue_dma source(%arg9 : memref<512xf32, #tpu.memory_space<vmem>>) target(%dma_start3A_667 : memref<512xf32, #tpu.memory_space<hbm>>) target_semaphore(%run_scoped3A : memref<!tpu.dma_semaphore, #tpu.memory_space<semaphore_mem>>)
      %dma_wait3A = tpu.memref_slice %arg5[%mul3A_2] : memref<16384xf32, #tpu.memory_space<hbm>> -> memref<512xf32, #tpu.memory_space<hbm>>
      %dma_wait3A_668 = tpu.memref_slice %arg5[%mul3A_2] : memref<16384xf32, #tpu.memory_space<hbm>> -> memref<512xf32, #tpu.memory_space<hbm>>
      tpu.wait_dma2 semaphore(%run_scoped3A : memref<!tpu.dma_semaphore, #tpu.memory_space<semaphore_mem>>) src(%arg9 : memref<512xf32, #tpu.memory_space<vmem>>) dst(%dma_wait3A_668 : memref<512xf32, #tpu.memory_space<hbm>>)
      tpu.yield
    }) : () -> ()
    return
  }
}

module attributes {stable_mosaic.version = 14 : i64} {
  func.func @_tc_body(%arg0: i32, %arg1: memref<1000x16xf32, #tpu.memory_space<vmem>>, %arg2: memref<16x4096xf32, #tpu.memory_space<vmem>>, %arg3: memref<1x4096xf32, #tpu.memory_space<vmem>>, %arg4: memref<1x4096xf32, #tpu.memory_space<vmem>>, %arg5: memref<1x4096xf32, #tpu.memory_space<vmem>>) attributes {dimension_semantics = [#tpu.dimension_semantics<arbitrary>], iteration_bounds = array<i64: 4>, scalar_prefetch = 0 : i64, scratch_operands = 0 : i64, tpu.core_type = #tpu.core_type<tc>, window_params = [{pipeline_mode = #tpu.pipeline_mode<synchronous>, transform_indices = @transform_0, window_bounds = array<i64: 1000, 16>}, {transform_indices = @transform_1, window_bounds = array<i64: 16, 4096>}, {transform_indices = @transform_2, window_bounds = array<i64: 1, 4096>}, {transform_indices = @transform_3, window_bounds = array<i64: 1, 4096>}, {transform_indices = @transform_4, window_bounds = array<i64: 1, 4096>}]} {
    %get3A = arith.constant 0 : index
    %get3A_0 = arith.constant 0 : index
    %get3A_1 = vector.load %arg1[%get3A, %get3A_0] : memref<1000x16xf32, #tpu.memory_space<vmem>>, vector<1000x16xf32>
    %get3A_2 = arith.constant 0 : index
    %get3A_3 = arith.constant 0 : index
    %get3A_4 = vector.load %arg2[%get3A_2, %get3A_3] : memref<16x4096xf32, #tpu.memory_space<vmem>>, vector<16x4096xf32>
    %mul3A = arith.mulf %get3A_4, %get3A_4 : vector<16x4096xf32>
    %reduce_sum3A = arith.constant dense<0.000000e+00> : vector<4096xf32>
    %reduce_sum3A_5 = vector.multi_reduction <add>, %mul3A, %reduce_sum3A [0] : vector<16x4096xf32> to vector<4096xf32>
    %broadcast_in_dim3A = vector.shape_cast %reduce_sum3A_5 : vector<4096xf32> to vector<1x4096xf32>
    %mul3A_6 = arith.mulf %get3A_1, %get3A_1 : vector<1000x16xf32>
    %reduce_sum3A_7 = arith.constant dense<0.000000e+00> : vector<1000xf32>
    %reduce_sum3A_8 = vector.multi_reduction <add>, %mul3A_6, %reduce_sum3A_7 [1] : vector<1000x16xf32> to vector<1000xf32>
    %broadcast_in_dim3A_9 = vector.shape_cast %reduce_sum3A_8 : vector<1000xf32> to vector<1000x1xf32>
    %add3A = arith.addf %get3A_1, %get3A_1 : vector<1000x16xf32>
    %dot_general3A = arith.constant dense<0.000000e+00> : vector<1000x4096xf32>
    %dot_general3A_10 = tpu.matmul %add3A, %get3A_4, %dot_general3A {dimension_numbers = #tpu.dot_dimension_numbers<[1], [0], [0], [1], [0, 0, 1, 1], [], []>, transpose_lhs_hint = false} : vector<1000x16xf32>, vector<16x4096xf32>, vector<1000x4096xf32> -> vector<1000x4096xf32>
    %add3A_11 = vector.broadcast %broadcast_in_dim3A : vector<1x4096xf32> to vector<1000x4096xf32>
    %add3A_12 = vector.broadcast %broadcast_in_dim3A_9 : vector<1000x1xf32> to vector<1000x4096xf32>
    %add3A_13 = arith.addf %add3A_11, %add3A_12 : vector<1000x4096xf32>
    %sub3A = arith.subf %add3A_13, %dot_general3A_10 : vector<1000x4096xf32>
    %argmin3A = tpu.reduce_index %sub3A {axis = 0 : i32, kind = #tpu.reduction_kind<arg_min>} : vector<1000x4096xf32> -> vector<4096xi32>
    %broadcast_in_dim3A_14 = vector.shape_cast %argmin3A : vector<4096xi32> to vector<1x4096xi32>
    %convert_element_type3A = arith.sitofp %broadcast_in_dim3A_14 : vector<1x4096xi32> to vector<1x4096xf32>
    %swap3A = arith.constant 0 : index
    %swap3A_15 = arith.constant 0 : index
    %swap3A_16 = vector.load %arg3[%swap3A, %swap3A_15] : memref<1x4096xf32, #tpu.memory_space<vmem>>, vector<1x4096xf32>
    tpu.vector_store %arg3[%swap3A, %swap3A_15], %convert_element_type3A {strides = array<i32>} : memref<1x4096xf32, #tpu.memory_space<vmem>>, vector<1x4096xf32>,
    %sqrt3A = math.sqrt %broadcast_in_dim3A : vector<1x4096xf32>
    %jit3A = arith.constant 9.99999993E-9 : f32
    %max3A = vector.broadcast %jit3A : f32 to vector<1x4096xf32>
    %max3A_17 = arith.maximumf %max3A, %sqrt3A : vector<1x4096xf32>
    %div3A = vector.broadcast %max3A_17 : vector<1x4096xf32> to vector<16x4096xf32>
    %div3A_18 = arith.divf %get3A_4, %div3A : vector<16x4096xf32>
    %sqrt3A_19 = math.sqrt %broadcast_in_dim3A_9 : vector<1000x1xf32>
    %jit3A_20 = arith.constant 9.99999993E-9 : f32
    %max3A_21 = vector.broadcast %jit3A_20 : f32 to vector<1000x1xf32>
    %max3A_22 = arith.maximumf %max3A_21, %sqrt3A_19 : vector<1000x1xf32>
    %div3A_23 = vector.broadcast %max3A_22 : vector<1000x1xf32> to vector<1000x16xf32>
    %div3A_24 = arith.divf %get3A_1, %div3A_23 : vector<1000x16xf32>
    %dot_general3A_25 = arith.constant dense<0.000000e+00> : vector<1000x4096xf32>
    %dot_general3A_26 = tpu.matmul %div3A_24, %div3A_18, %dot_general3A_25 {dimension_numbers = #tpu.dot_dimension_numbers<[1], [0], [0], [1], [0, 0, 1, 1], [], []>, transpose_lhs_hint = false} : vector<1000x16xf32>, vector<16x4096xf32>, vector<1000x4096xf32> -> vector<1000x4096xf32>
    %reduce_max3A = arith.constant dense<0xFF800000> : vector<4096xf32>
    %reduce_max3A_27 = vector.multi_reduction <maximumf>, %dot_general3A_26, %reduce_max3A [0] : vector<1000x4096xf32> to vector<4096xf32>
    %broadcast_in_dim3A_28 = vector.shape_cast %reduce_max3A_27 : vector<4096xf32> to vector<1x4096xf32>
    %swap3A_29 = arith.constant 0 : index
    %swap3A_30 = arith.constant 0 : index
    %swap3A_31 = vector.load %arg5[%swap3A_29, %swap3A_30] : memref<1x4096xf32, #tpu.memory_space<vmem>>, vector<1x4096xf32>
    tpu.vector_store %arg5[%swap3A_29, %swap3A_30], %broadcast_in_dim3A_28 {strides = array<i32>} : memref<1x4096xf32, #tpu.memory_space<vmem>>, vector<1x4096xf32>,
    %argmax3A = tpu.reduce_index %dot_general3A_26 {axis = 0 : i32, kind = #tpu.reduction_kind<arg_max>} : vector<1000x4096xf32> -> vector<4096xi32>
    %broadcast_in_dim3A_32 = vector.shape_cast %argmax3A : vector<4096xi32> to vector<1x4096xi32>
    %convert_element_type3A_33 = arith.sitofp %broadcast_in_dim3A_32 : vector<1x4096xi32> to vector<1x4096xf32>
    %swap3A_34 = arith.constant 0 : index
    %swap3A_35 = arith.constant 0 : index
    %swap3A_36 = vector.load %arg4[%swap3A_34, %swap3A_35] : memref<1x4096xf32, #tpu.memory_space<vmem>>, vector<1x4096xf32>
    tpu.vector_store %arg4[%swap3A_34, %swap3A_35], %convert_element_type3A_33 {strides = array<i32>} : memref<1x4096xf32, #tpu.memory_space<vmem>>, vector<1x4096xf32>,
    return
  }
  func.func @transform_0(%arg0: i32) -> (i32, i32) {
    %c0_i32 = arith.constant 0 : i32
    %c0_i32_0 = arith.constant 0 : i32
    %c0_i32_1 = arith.constant 0 : i32
    return %c0_i32, %c0_i32_0 : i32, i32
  }
  func.func @transform_1(%arg0: i32) -> (i32, i32) {
    %c0_i32 = arith.constant 0 : i32
    %c0_i32_0 = arith.constant 0 : i32
    return %c0_i32, %arg0 : i32, i32
  }
  func.func @transform_2(%arg0: i32) -> (i32, i32) {
    %c0_i32 = arith.constant 0 : i32
    %c0_i32_0 = arith.constant 0 : i32
    return %c0_i32, %arg0 : i32, i32
  }
  func.func @transform_3(%arg0: i32) -> (i32, i32) {
    %c0_i32 = arith.constant 0 : i32
    %c0_i32_0 = arith.constant 0 : i32
    return %c0_i32, %arg0 : i32, i32
  }
  func.func @transform_4(%arg0: i32) -> (i32, i32) {
    %c0_i32 = arith.constant 0 : i32
    %c0_i32_0 = arith.constant 0 : i32
    return %c0_i32, %arg0 : i32, i32
  }
}

</mosaic_0001>

<sc_bundles>
// kernel: kernel.4.cloned.1.call-start
scs
__scs_entry_jumppad:
0x0: {  	(pc) =	sbr.rel $0x88, $3  }
0x1: {  	(tag) =	ssettag $0x0;
	lr =	simm.s32 $0x1  }
0x2: {  	[smem:$0x3F9F] =	sst lr;
	_ =	strace $0xD0000000  }
0x3: {  	_ = 	snop  }
0x4: {  	_ = 	snop  }
0x5: {  	_ = 	snop  }
0x6: {  	_ = 	snop  }
0x7: {  	_ = 	snop  }
__scs_overlays_trampoline_lowered:
0x8: {  	[smem:$0x3FAE] =	sst s0  }
0x9: {  	[smem:$0x3FAF] =	sst s1  }
0xa: {  	[smem:$0x3FB0] =	sst s2  }
0xb: {  	[smem:$0x3FB1] =	sst s3  }
0xc: {  	[smem:$0x3FB2] =	sst s4  }
0xd: {  	[smem:$0x3FB3] =	sst s5  }
0xe: {  	[smem:$0x3FB4] =	sst s6  }
0xf: {  	[smem:$0x3FB5] =	sst s7  }
0x10: {  	[smem:$0x3FB6] =	sst s8  }
0x11: {  	[smem:$0x3FB7] =	sst s9;
	s0 =	simm.s32 @!p0 $0x0  }
0x12: {  	s1 =	sld [smem:$0x3F9D];
	s0 =	simm.s32 @p0 $0x1  }
0x13: {  	[smem:$0x3FB8] =	sst s0;
	s0 =	simm.s32 @!p1 $0x0  }
0x14: {  	s2 =	sld [smem:$0x3F9C];
	s0 =	simm.s32 @p1 $0x1  }
0x15: {  	[smem:$0x3FB9] =	sst s0;
	s0 =	simm.s32 @!p2 $0x0  }
0x16: {  	s3 =	sld [smem:$0x3FDB];
	s0 =	simm.s32 @p2 $0x1  }
0x17: {  	s4 =	simm.s32 $0x1BF5;
	[smem:$0x3FBB] =	sst s0  }
0x18: {  	s0 =	sld [smem:$0x3F9E];
	_ =	swait.ge [sflag:s4], $0x0  }
0x19: {  	s7 =	sld [smem:$0x3F9F]  }
0x1a: {  	s8 =	sadd.s32 $0xFFFFE003, lr  }
0x1b: {  	s9 =	sadd.s32 $0xFFFFFEF7, lr;
	s5 =	simm.s32 $0xFFFFFFFF;
	p2 =	slt.u32 s8, $0xFFFFF086  }
0x1c: {  	p1 =	slt.u32 s9, $0xF7A;
	s5 =	simm.s32 @!p2 $0x0  }
0x1d: {  	s5 =	simm.s32 @p1 $0x1;
	p0 =	seq.s32 s7, s2  }
0x1e: {  	s7 =	smul.u32 @!p0 $0xF7A, s2;
	p2 =	seq.s32 @!p0 s5, $0x0  }
0x1f: {  	s9 =	smul.u32 $0xF7A, s1;
	s8 =	simm.s32 @!p0 $0x1BF5;
	p2 =	por !p2, p0  }
0x20: {  	[sflag:s8] =	ssyncset.s32 @!p0 $0xFFFFF086;
	s6 =	sadd.s32 @!p0 s3, s7;
	s7 =	simm.s32 @!p0 $0x108  }
0x21: {  	s3 =	sadd.s32 s3, s9;
	s6 =	sadd.s32 @!p0 $0x88, s6;
	s7 =	simm.s32 @p2 $0x1082  }
0x22: {  	[simem:s7], [sflag:s8] =	dma.local @!p0 [hbm:s6], $0xF7A  }
0x23: {  	s9 =	sor.u32 $0xD0000000, s2;
	s6 =	simm.s32 $0x108;
	_ =	swait.ge @!p0 [sflag:s8], $0x0  }
0x24: {  	s3 =	sadd.s32 $0x88, s3;
	s6 =	simm.s32 @!p1 $0x1082;
	[sflag:s4] =	ssyncset.s32 $0xFFFFF086  }
0x25: {  	[simem:s6], [sflag:s4] =	dma.local [hbm:s3], $0xF7A  }
0x26: {  	[smem:$0x3F9F] =	sst s1;
	(tag) =	ssettag s2;
	_ =	strace s9  }
0x27: {  	s1 =	sld [smem:$0x3FAF]  }
0x28: {  	s2 =	sld [smem:$0x3FB0]  }
0x29: {  	s4 =	sld [smem:$0x3FB2]  }
0x2a: {  	p0 =	seq.s32 s5, $0x0;
	s5 =	sld [smem:$0x3FB3]  }
0x2b: {  	s6 =	sld [smem:$0x3FB4]  }
0x2c: {  	s7 =	sld [smem:$0x3FB5]  }
0x2d: {  	s3 =	simm.s32 $0x108;
	s8 =	sld [smem:$0x3FB6]  }
0x2e: {  	s3 =	simm.s32 @!p0 $0x1082;
	s9 =	sld [smem:$0x3FB7]  }
0x2f: {  	lr =	sadd.s32 s0, s3;
	s0 =	sld [smem:$0x3FAE]  }
0x30: {  	s3 =	sld [smem:$0x3FB1]  }
0x31: {  	[smem:$0x3FBA] =	sst s10  }
0x32: {  	s10 =	sld [smem:$0x3FB8];
	_ =	sdelay $0x3  }
0x33: {  	p0 =	seq.s32 s10, $0x1;
	s10 =	sld [smem:$0x3FBA];
	_ =	sdelay $0x3  }
0x34: {  	[smem:$0x3FBA] =	sst s10  }
0x35: {  	s10 =	sld [smem:$0x3FB9];
	_ =	sdelay $0x3  }
0x36: {  	p1 =	seq.s32 s10, $0x1;
	s10 =	sld [smem:$0x3FBA];
	_ =	sdelay $0x3  }
0x37: {  	[smem:$0x3FBA] =	sst s10  }
0x38: {  	s10 =	sld [smem:$0x3FBB]  }
0x39: {  	_ = 	snop;
	(pc) =	sbr.ind lr, $3  }
0x3a: {  	_ = 	snop  }
0x3b: {  	_ = 	snop  }
0x3c: {  	p2 =	seq.s32 s10, $0x1;
	s10 =	sld [smem:$0x3FBA]  }
0x3d: {  	_ =	shalt  }
0x3e: {  	_ =	shalt  }
0x3f: {  	_ =	shalt  }
0x40: {  	_ =	shalt  }
0x41: {  	_ =	shalt  }
0x42: {  	_ =	shalt  }
0x43: {  	_ =	shalt  }
0x44: {  	_ =	shalt  }
0x45: {  	_ =	shalt  }
0x46: {  	_ =	shalt  }
0x47: {  	_ =	shalt  }
0x48: {  	_ =	shalt  }
0x49: {  	_ =	shalt  }
0x4a: {  	_ =	shalt  }
0x4b: {  	_ =	shalt  }
0x4c: {  	_ =	shalt  }
0x4d: {  	_ =	shalt  }
0x4e: {  	_ =	shalt  }
0x4f: {  	_ =	shalt  }
0x50: {  	_ =	shalt  }
0x51: {  	_ =	shalt  }
0x52: {  	_ =	shalt  }
0x53: {  	_ =	shalt  }
0x54: {  	_ =	shalt  }
0x55: {  	_ =	shalt  }
0x56: {  	_ =	shalt  }
0x57: {  	_ =	shalt  }
0x58: {  	_ =	shalt  }
0x59: {  	_ =	shalt  }
0x5a: {  	_ =	shalt  }
0x5b: {  	_ =	shalt  }
0x5c: {  	_ =	shalt  }
0x5d: {  	_ =	shalt  }
0x5e: {  	_ =	shalt  }
0x5f: {  	_ =	shalt  }
0x60: {  	_ =	shalt  }
0x61: {  	_ =	shalt  }
0x62: {  	_ =	shalt  }
0x63: {  	_ =	shalt  }
0x64: {  	_ =	shalt  }
0x65: {  	_ =	shalt  }
0x66: {  	_ =	shalt  }
0x67: {  	_ =	shalt  }
0x68: {  	_ =	shalt  }
0x69: {  	_ =	shalt  }
0x6a: {  	_ =	shalt  }
0x6b: {  	_ =	shalt  }
0x6c: {  	_ =	shalt  }
0x6d: {  	_ =	shalt  }
0x6e: {  	_ =	shalt  }
0x6f: {  	_ =	shalt  }
0x70: {  	_ =	shalt  }
0x71: {  	_ =	shalt  }
0x72: {  	_ =	shalt  }
0x73: {  	_ =	shalt  }
0x74: {  	_ =	shalt  }
0x75: {  	_ =	shalt  }
0x76: {  	_ =	shalt  }
0x77: {  	_ =	shalt  }
0x78: {  	_ =	shalt  }
0x79: {  	_ =	shalt  }
0x7a: {  	_ =	shalt  }
0x7b: {  	_ =	shalt  }
0x7c: {  	_ =	shalt  }
0x7d: {  	_ =	shalt  }
0x7e: {  	_ =	shalt  }
0x7f: {  	_ =	shalt  }
0x80: {  	_ =	shalt  }
0x81: {  	_ =	shalt  }
0x82: {  	_ =	shalt  }
0x83: {  	_ =	shalt  }
0x84: {  	_ =	shalt  }
0x85: {  	_ =	shalt  }
0x86: {  	_ =	shalt  }
0x87: {  	_ =	shalt  }
.Lfunc_end0:
.L_simem_size_0:
called_computation_lowered:
.L_overlay_start_0:
0x88: {  	s2 =	sld [smem:$0x3FD9]  }
0x89: {  	s3 =	sld [smem:$0x3FFE];
	_ =	sdelay $0x1  }
0x8a: {  	s1 =	srdreg.scid  }
0x8b: {  	s0 =	sand.u32 $0x1, s1  }
0x8c: {  	s17 =	sshll.u32 s0, $0xA;
	s2 =	sadd.s32 s3, s2  }
0x8d: {  	s2 =	sadd.s32 s2, s17  }
0x8e: {  	[smem:$0x3FC6] =	sst s2  }
0x8f: {  	_ = 	snop  }
0x90: {  	s2 =	sld [smem:$0x3FD0];
	(tm) =	ssettm $0x1  }
0x91: {  	s18 =	sld [smem:$0x3FFB];
	_ =	sdelay $0x3  }
0x92: {  	_ =	strace s18  }
0x93: {  	s3 =	sld [smem:$0x3FFC];
	_ =	sdelay $0x3  }
0x94: {  	_ =	strace s3  }
0x95: {  	s3 =	sld [smem:$0x3FFD];
	_ =	sdelay $0x3  }
0x96: {  	_ =	strace s3  }
0x97: {  	_ =	strace $0x8FFFFFFF  }
0x98: {  	s19 =	sld [smem:$0x3FDB];
	_ =	sdelay $0x1  }
0x99: {  	s4 =	simm.s32 $_scs_section_size  }
0x9a: {  	s5 =	simm.s32 $_size__tile_overlayer_lowered;
	s6 =	simm.s32 $_tile_overlayer_lowered  }
0x9b: {  	s22 =	simm.s32 $0x1BFF;
	s21 =	sshll.u32 s6, $0x1;
	s3 =	sadd.s32 s4, s19  }
0x9c: {  	s7 =	simm.s32 $0x0;
	s20 =	sshll.u32 s5, $0x1;
	s5 =	sadd.s32 s21, s3  }
0x9d: {  	[timem:s7], [sflag:s22] =	dma.local [hbm:s5], s20  }
0x9e: {  	_ =	swait.ge [sflag:s22], s20  }
0x9f: {  	s4 =	ssub.s32 $0x0, s20;
	[sflag:s22] =	ssyncset.done $0x0  }
0xa0: {  	[sflag:s22] =	ssyncadd.s32 s4;
	_ =	sdelay $0x1  }
0xa1: {  	s23 =	simm.s32 $0x1B8B  }
0xa2: {  	_ =	swait.ge [sflag:s23], $0x1  }
0xa3: {  	[sflag:s23] =	ssyncset.done $0x0  }
0xa4: {  	s25 =	simm.s32 $0x1B8E;
	s24 =	sld [smem:$0x3FFE];
	[sflag:s23] =	ssyncadd.s32 $0xFFFFFFFF  }
0xa5: {  	s26 =	simm.s32 $execute0_lowered;
	[smem:$0x3FD2] =	sst s25  }
0xa6: {  	s5 =	sshll.u32 s26, $0x1;
	_ =	strace $0x80000046;
	[dreg:$0x1] =	wrdreg $0xFFFFFFFF  }
0xa7: {  	s28 =	simm.s32 $_size_execute0_lowered;
	s3 =	sadd.s32 s3, s5;
	[dreg:$0x0] =	wrdreg $0x0  }
0xa8: {  	s5 =	sshll.u32 s28, $0x1;
	[dreg:$0x2] =	wrdreg s3  }
0xa9: {  	[dreg:$0x3] =	wrdreg s5  }
0xaa: {  	[dreg:$0x4] =	wrdreg $0xC0  }
0xab: {  	_ =	task [dreg:s7], $0x5FFFF  }
0xac: {  	[dreg:$0x1] =	wrdreg $0xFFFFFFFF  }
0xad: {  	[dreg:$0x0] =	wrdreg $0x60  }
0xae: {  	[dreg:$0x2] =	wrdreg s24  }
0xaf: {  	[dreg:$0x3] =	wrdreg s2  }
0xb0: {  	[dreg:$0x4] =	wrdreg $0x9  }
0xb1: {  	_ =	task.clear_ibuf [dreg:s7], $0x5FFFF;
	_ =	strace $0x90000046  }
0xb2: {  	s29 =	simm.s32 $0x9;
	_ =	strace $0x80000048  }
0xb3: {  	_ =	swait.ge [sflag:s29], $0x1  }
0xb4: {  	[sflag:s29] =	ssyncadd.s32 $0xFFFFFFFF  }
0xb5: {  	_ =	strace $0x90000048  }
0xb6: {  	_ =	sfence  }
0xb7: {  	s30 =	sld [smem:$0x0];
	_ =	sdelay $0x2  }
0xb8: {  	s31 =	sshll.u32 s1, $0xD;
	s1 =	sshrl.u32 s1, $0x2  }
0xb9: {  	s3 =	sand.u32 $0x4000, s31;
	s1 =	sadd.s32 s1, s30  }
0xba: {  	s0 =	sor.u32 s3, s0;
	s1 =	sshll.u32 s1, $0x11  }
0xbb: {  	s0 =	sor.u32 s1, s0  }
0xbc: {  	s0 =	sadd.s32 $0x8F2B, s0  }
0xbd: {  	[sflag:s0] =	ssyncadd.remote.s32 $0x1  }
0xbe: {  	_ =	sfence.sel $0xFFFF  }
0xbf: {  	[dreg:$0x0] =	wrdreg $0xFFFFFFFF;
	(pc) =	sbr.abs _section_cstart, $3  }
0xc0: {  	[dreg:$0x1] =	wrdreg $0xFFFFFFFF  }
0xc1: {  	_ =	task.clear_ibuf [dreg:s7], $0x2FFFF;
	_ =	strace $0x9FFFFFFF  }
0xc2: {  	(tm) =	ssettm $0x7FFFFFFF  }
0xc3: {  	_ =	shalt  }
tec
execute0_lowered:
.L_overlay_start_1:
0x0: {  	(tag) =	ssettag $0x1  }
0x1: {  	s3 =	rddreg [dreg:$0x0]  }
0x2: {  	s6 =	rddreg [dreg:$0x1]  }
0x3: {  	s0 =	rddreg [dreg:$0x2];
	s4 =	srdreg.scid  }
0x4: {  	s2 =	simm.s32 $0x0;
	s1 =	stileid.u32;
	s10 =	simm.s32 $0x400  }
0x5: {  	s11 =	simm.s32 $0x600;
	s4 =	sand.u32 $0x1, s4;
	s5 =	sshll.u32 s1, $0x7  }
0x6: {  	[smem:$0x7FF] =	sst s2;
	s7 =	sshll.u32 s4, $0x6;
	s4 =	ssub.s32 $0x2, s4  }
0x7: {  	_ =	strace $0x80000047;
	s7 =	sor.u32 s7, s5;
	s31 =	sshrl.u32 s4, $0x1  }
0x8: {  	s8 =	sadd.s32 s7, s3;
	s9 =	ssub.s32 s4, s31;
	s6 =	sadd.s32 s6, s7  }
0x9: {  	s3 =	sadd.s32 $0xE00, s8;
	s4 =	sadd.s32 $0x1600, s8;
	s5 =	sadd.s32 $0x1E00, s8  }
0xa: {  	s7 =	smax.u32 s9, $0x1;
	s8 =	simm.s32 $0x1;
	s9 =	simm.s32 $0x200  }
.LBB2_1:
0xb: {  	[tilespmem:s2], [sflag:$0x1] =	stream.linear.gather [hbm4b:s3+s2], $0x200, $0x38;
	[tilespmem:$0x800] =	vst v63  }
0xc: {  	_ =	swait.ge [sflag:s8], $0x200  }
0xd: {  	[sflag:s8] =	ssyncset.done $0x0  }
0xe: {  	[sflag:s8] =	ssyncadd.s32 $0xFFFFFE00  }
0xf: {  	[tilespmem:s9], [sflag:$0x1] =	stream.linear.gather [hbm4b:s4+s2], $0x200, $0x38;
	[tilespmem:$0x800] =	vst v63  }
0x10: {  	_ =	swait.ge [sflag:s8], $0x200  }
0x11: {  	[sflag:s8] =	ssyncset.done $0x0  }
0x12: {  	[sflag:s8] =	ssyncadd.s32 $0xFFFFFE00  }
0x13: {  	[tilespmem:s10], [sflag:$0x1] =	stream.linear.gather [hbm4b:s5+s2], $0x200, $0x38;
	[tilespmem:$0x800] =	vst v63  }
0x14: {  	_ =	swait.ge [sflag:s8], $0x200  }
0x15: {  	[sflag:s8] =	ssyncset.done $0x0  }
0x16: {  	[sflag:s8] =	ssyncadd.s32 $0xFFFFFE00  }
0x17: {  	v0 =	vld [tilespmem:$0x0]  }
0x18: {  	v1 =	vld [tilespmem:$0x200]  }
0x19: {  	v2 =	vld [tilespmem:$0x400]  }
0x1a: {  	v3 =	vld [tilespmem:$0x10]  }
0x1b: {  	v4 =	vld [tilespmem:$0x210]  }
0x1c: {  	v5 =	vld [tilespmem:$0x410]  }
0x1d: {  	v6 =	vld [tilespmem:$0x20]  }
0x1e: {  	v7 =	vld [tilespmem:$0x220]  }
0x1f: {  	v8 =	vld [tilespmem:$0x420]  }
0x20: {  	v9 =	vld [tilespmem:$0x30]  }
0x21: {  	v10 =	vld [tilespmem:$0x230]  }
0x22: {  	v11 =	vld [tilespmem:$0x430]  }
0x23: {  	v12 =	vld [tilespmem:$0x40]  }
0x24: {  	v13 =	vld [tilespmem:$0x240]  }
0x25: {  	v14 =	vld [tilespmem:$0x440]  }
0x26: {  	v15 =	vld [tilespmem:$0x50]  }
0x27: {  	v16 =	vld [tilespmem:$0x250]  }
0x28: {  	v17 =	vld [tilespmem:$0x450]  }
0x29: {  	v18 =	vld [tilespmem:$0x60]  }
0x2a: {  	v19 =	vld [tilespmem:$0x260]  }
0x2b: {  	v20 =	vld [tilespmem:$0x460]  }
0x2c: {  	v21 =	vld [tilespmem:$0x70]  }
0x2d: {  	v22 =	vld [tilespmem:$0x270]  }
0x2e: {  	v23 =	vld [tilespmem:$0x470]  }
0x2f: {  	v24 =	vld [tilespmem:$0x80]  }
0x30: {  	v25 =	vld [tilespmem:$0x280]  }
0x31: {  	v26 =	vld [tilespmem:$0x480]  }
0x32: {  	v27 =	vld [tilespmem:$0x90]  }
0x33: {  	v28 =	vld [tilespmem:$0x290]  }
0x34: {  	v29 =	vld [tilespmem:$0x490]  }
0x35: {  	v30 =	vld [tilespmem:$0xA0]  }
0x36: {  	v31 =	vld [tilespmem:$0x2A0]  }
0x37: {  	v32 =	vld [tilespmem:$0x4A0]  }
0x38: {  	v33 =	vld [tilespmem:$0xB0]  }
0x39: {  	v34 =	vld [tilespmem:$0x2B0]  }
0x3a: {  	v35 =	vld [tilespmem:$0x4B0]  }
0x3b: {  	v36 =	vld [tilespmem:$0xC0]  }
0x3c: {  	v37 =	vld [tilespmem:$0x2C0]  }
0x3d: {  	v38 =	vld [tilespmem:$0x4C0]  }
0x3e: {  	v39 =	vld [tilespmem:$0xD0]  }
0x3f: {  	v40 =	vld [tilespmem:$0x2D0]  }
0x40: {  	v41 =	vld [tilespmem:$0x4D0]  }
0x41: {  	v42 =	vld [tilespmem:$0xE0]  }
0x42: {  	v43 =	vld [tilespmem:$0x2E0]  }
0x43: {  	v44 =	vld [tilespmem:$0x4E0]  }
0x44: {  	v45 =	vld [tilespmem:$0xF0]  }
0x45: {  	v46 =	vld [tilespmem:$0x2F0]  }
0x46: {  	v47 =	vld [tilespmem:$0x4F0]  }
0x47: {  	v48 =	vld [tilespmem:$0x100]  }
0x48: {  	v49 =	vld [tilespmem:$0x300]  }
0x49: {  	v50 =	vld [tilespmem:$0x500]  }
0x4a: {  	v51 =	vld [tilespmem:$0x110]  }
0x4b: {  	v52 =	vld [tilespmem:$0x310]  }
0x4c: {  	v53 =	vld [tilespmem:$0x510]  }
0x4d: {  	v54 =	vld [tilespmem:$0x120]  }
0x4e: {  	v55 =	vld [tilespmem:$0x320]  }
0x4f: {  	v56 =	vld [tilespmem:$0x520]  }
0x50: {  	v57 =	vld [tilespmem:$0x130]  }
0x51: {  	v58 =	vld [tilespmem:$0x330]  }
0x52: {  	v59 =	vld [tilespmem:$0x390];
	vm0 =	veq.f32 v1, v0;
	vm1 =	vgt.f32 v2, $8.500000230e-01  }
0x53: {  	v60 =	vld [tilespmem:$0x590];
	vm2 =	veq.f32 v4, v3;
	vm7 =	vgt.f32 v5, $8.500000230e-01;
	vm3 =	veq.f32 v7, v6  }
0x54: {  	v0 =	vld [tilespmem:$0x530];
	vm8 =	vgt.f32 v8, $8.500000230e-01;
	vm9 =	veq.f32 v10, v9;
	vm10 =	vgt.f32 v11, $8.500000230e-01  }
0x55: {  	v2 =	vld [tilespmem:$0x140];
	vm11 =	veq.f32 v13, v12;
	vm12 =	vgt.f32 v14, $8.500000230e-01;
	vm13 =	veq.f32 v16, v15  }
0x56: {  	v3 =	vld [tilespmem:$0x340];
	vm14 =	vgt.f32 v17, $8.500000230e-01;
	vm15 =	veq.f32 v19, v18;
	vm6 =	vgt.f32 v20, $8.500000230e-01  }
0x57: {  	v5 =	vld [tilespmem:$0x540];
	vm5 =	vgt.f32 v50, $8.500000230e-01;
	vm0 =	vmand vm0, vm1;
	vm1 =	vmand vm2, vm7  }
0x58: {  	v6 =	vld [tilespmem:$0x150];
	vm2 =	vmand vm3, vm8;
	vm7 =	veq.f32 v22, v21;
	vm8 =	vgt.f32 v23, $8.500000230e-01  }
0x59: {  	v8 =	vld [tilespmem:$0x350];
	v1 =	vnsel vm0, $0xBF800000, v1;
	v4 =	vnsel vm1, $0xBF800000, v4;
	v7 =	vnsel vm2, $0xBF800000, v7  }
0x5a: {  	v9 =	vld [tilespmem:$0x550];
	vm0 =	vmand vm9, vm10;
	vm1 =	vmand vm11, vm12;
	vm2 =	vmand vm13, vm14  }
0x5b: {  	v12 =	vld [tilespmem:$0x160];
	vm9 =	veq.f32 v25, v24;
	vm10 =	vgt.f32 v26, $8.500000230e-01;
	vm11 =	veq.f32 v28, v27  }
0x5c: {  	v15 =	vld [tilespmem:$0x560];
	vm12 =	vgt.f32 v29, $8.500000230e-01;
	vm13 =	veq.f32 v31, v30;
	vm14 =	vgt.f32 v32, $8.500000230e-01  }
0x5d: {  	v20 =	vld [tilespmem:$0x570];
	v10 =	vnsel vm0, $0xBF800000, v10;
	v61 =	vnsel vm1, $0xBF800000, v13;
	v62 =	vnsel vm2, $0xBF800000, v16  }
0x5e: {  	v21 =	vld [tilespmem:$0x180];
	vm0 =	vmand vm15, vm6;
	vm1 =	vmand vm7, vm8;
	vm2 =	vmand vm9, vm10  }
0x5f: {  	v23 =	vld [tilespmem:$0x580];
	[tilespmem:$0x600] =	vst v1;
	vm15 =	veq.f32 v34, v33;
	vm6 =	vgt.f32 v35, $8.500000230e-01;
	vm7 =	veq.f32 v37, v36  }
0x60: {  	v32 =	vld [tilespmem:$0x3A0];
	[tilespmem:$0x610] =	vst v4;
	vm8 =	vgt.f32 v38, $8.500000230e-01;
	vm9 =	veq.f32 v40, v39;
	vm10 =	vgt.f32 v41, $8.500000230e-01  }
0x61: {  	v13 =	vld [tilespmem:$0x360];
	[tilespmem:$0x620] =	vst v7;
	v63 =	vnsel vm0, $0xBF800000, v19;
	v18 =	vnsel vm1, $0xBF800000, v22;
	v29 =	vnsel vm2, $0xBF800000, v25  }
0x62: {  	v16 =	vld [tilespmem:$0x170];
	vm0 =	vmand vm11, vm12;
	vm1 =	vmand vm13, vm14;
	[tilespmem:$0x630] =	vst v10;
	vm2 =	vmand vm15, vm6  }
0x63: {  	v4 =	vld [tilespmem:$0x380];
	[tilespmem:$0x640] =	vst v61;
	vm11 =	veq.f32 v43, v42;
	vm12 =	vgt.f32 v44, $8.500000230e-01;
	vm13 =	veq.f32 v46, v45  }
0x64: {  	v35 =	vld [tilespmem:$0x1B0];
	[tilespmem:$0x650] =	vst v62;
	vm14 =	vgt.f32 v47, $8.500000230e-01;
	vm15 =	veq.f32 v49, v48;
	vm6 =	veq.f32 v52, v51  }
0x65: {  	v38 =	vld [tilespmem:$0x3B0];
	v30 =	vnsel vm0, $0xBF800000, v28;
	v31 =	vnsel vm1, $0xBF800000, v31;
	v39 =	vnsel vm2, $0xBF800000, v34;
	[tilespmem:$0x660] =	vst v63  }
0x66: {  	v41 =	vld [tilespmem:$0x1C0];
	vm0 =	vmand vm7, vm8;
	vm1 =	vmand vm9, vm10;
	[tilespmem:$0x670] =	vst v18;
	vm2 =	vmand vm11, vm12  }
0x67: {  	v19 =	vld [tilespmem:$0x370];
	[tilespmem:$0x680] =	vst v29;
	vm7 =	vgt.f32 v53, $8.500000230e-01;
	vm8 =	veq.f32 v55, v54;
	vm9 =	vgt.f32 v56, $8.500000230e-01  }
0x68: {  	v10 =	vld [tilespmem:$0x190];
	vm10 =	veq.f32 v58, v57;
	vm11 =	vgt.f32 v0, $8.500000230e-01;
	vm12 =	veq.f32 v3, v2;
	[tilespmem:$0x690] =	vst v30  }
0x69: {  	v42 =	vld [tilespmem:$0x3C0];
	v61 =	vnsel vm0, $0xBF800000, v37;
	v62 =	vnsel vm1, $0xBF800000, v40;
	v33 =	vnsel vm2, $0xBF800000, v43;
	[tilespmem:$0x6A0] =	vst v31  }
0x6a: {  	v45 =	vld [tilespmem:$0x5C0];
	vm0 =	vmand vm13, vm14;
	vm1 =	vmand vm15, vm5;
	[tilespmem:$0x6B0] =	vst v39;
	vm2 =	vmand vm6, vm7  }
0x6b: {  	v47 =	vld [tilespmem:$0x3D0];
	vm13 =	vgt.f32 v5, $8.500000230e-01;
	vm14 =	veq.f32 v8, v6;
	vm15 =	vgt.f32 v9, $8.500000230e-01;
	[tilespmem:$0x6C0] =	vst v61  }
0x6c: {  	v48 =	vld [tilespmem:$0x5D0];
	vm7 =	vgt.f32 v15, $8.500000230e-01;
	v36 =	vnsel vm0, $0xBF800000, v46;
	v37 =	vnsel vm1, $0xBF800000, v49;
	[tilespmem:$0x6D0] =	vst v62  }
0x6d: {  	v51 =	vld [tilespmem:$0x1E0];
	v40 =	vnsel vm2, $0xBF800000, v52;
	vm0 =	vmand vm8, vm9;
	vm1 =	vmand vm10, vm11;
	[tilespmem:$0x6E0] =	vst v33  }
0x6e: {  	v63 =	vld [tilespmem:$0x1A0];
	vm2 =	vmand vm12, vm13;
	vm9 =	vgt.f32 v20, $8.500000230e-01;
	vm11 =	vgt.f32 v23, $8.500000230e-01;
	[tilespmem:$0x6F0] =	vst v36  }
0x6f: {  	v34 =	vld [tilespmem:$0x5A0];
	vm13 =	vgt.f32 v60, $8.500000230e-01;
	v43 =	vnsel vm0, $0xBF800000, v55;
	v44 =	vnsel vm1, $0xBF800000, v58;
	[tilespmem:$0x700] =	vst v37  }
0x70: {  	v54 =	vld [tilespmem:$0x5E0];
	vm6 =	veq.f32 v13, v12;
	v3 =	vnsel vm2, $0xBF800000, v3;
	vm0 =	vmand vm14, vm15;
	[tilespmem:$0x710] =	vst v40  }
0x71: {  	v57 =	vld [tilespmem:$0x3F0];
	vm10 =	veq.f32 v4, v21;
	vm8 =	veq.f32 v19, v16;
	vm1 =	vmand vm6, vm7;
	[tilespmem:$0x720] =	vst v43  }
0x72: {  	v39 =	vld [tilespmem:$0x5B0];
	v49 =	vnsel vm0, $0xBF800000, v8;
	[tilespmem:$0x730] =	vst v44;
	vm12 =	veq.f32 v59, v10;
	vm0 =	vmand vm10, vm11  }
0x73: {  	v46 =	vld [tilespmem:$0x1D0];
	[tilespmem:$0x740] =	vst v3;
	vm6 =	veq.f32 v38, v35;
	vm11 =	vgt.f32 v48, $8.500000230e-01;
	v50 =	vnsel vm1, $0xBF800000, v13  }
0x74: {  	v52 =	vld [tilespmem:$0x3E0];
	vm2 =	vmand vm8, vm9;
	[tilespmem:$0x750] =	vst v49;
	vm14 =	veq.f32 v32, v63;
	vm1 =	vmand vm12, vm13  }
0x75: {  	v55 =	vld [tilespmem:$0x1F0];
	vm15 =	vgt.f32 v34, $8.500000230e-01;
	v4 =	vnsel vm0, $0xBF800000, v4;
	vm8 =	veq.f32 v42, v41;
	[tilespmem:$0x760] =	vst v50  }
0x76: {  	v58 =	vld [tilespmem:$0x5F0];
	vm9 =	vgt.f32 v45, $8.500000230e-01;
	vm13 =	vgt.f32 v54, $8.500000230e-01;
	v53 =	vnsel vm2, $0xBF800000, v19;
	[tilespmem:$0x780] =	vst v4  }
0x77: {  	v56 =	vnsel vm1, $0xBF800000, v59;
	vm7 =	vgt.f32 v39, $8.500000230e-01;
	vm2 =	vmand vm14, vm15;
	[tilespmem:$0x770] =	vst v53  }
0x78: {  	v59 =	vnsel vm2, $0xBF800000, v32;
	vm0 =	vmand vm6, vm7;
	[tilespmem:$0x790] =	vst v56;
	vm10 =	veq.f32 v47, v46  }
0x79: {  	vm2 =	vmand vm8, vm9;
	vm12 =	veq.f32 v52, v51;
	v60 =	vnsel vm0, $0xBF800000, v38;
	[tilespmem:$0x7A0] =	vst v59  }
0x7a: {  	vm0 =	vmand vm10, vm11;
	v2 =	vnsel vm2, $0xBF800000, v42;
	vm14 =	veq.f32 v57, v55;
	[tilespmem:$0x7B0] =	vst v60  }
0x7b: {  	vm1 =	vmand vm12, vm13;
	vm15 =	vgt.f32 v58, $8.500000230e-01;
	v61 =	vnsel vm0, $0xBF800000, v47;
	[tilespmem:$0x7C0] =	vst v2  }
0x7c: {  	v62 =	vnsel vm1, $0xBF800000, v52;
	vm0 =	vmand vm14, vm15;
	[tilespmem:$0x7D0] =	vst v61  }
0x7d: {  	p0 =	sne.s32 s7, $0x1;
	[tilespmem:$0x7E0] =	vst v62;
	v63 =	vnsel vm0, $0xBF800000, v57  }
.Ltmp0:
0x7e: {  	[tilespmem:$0x7F0] =	vst v63;
	(pc) =	sbr.rel @p0 .LBB2_1-.Ltmp0, $4  }
0x7f: {  	[hbm4b:s6+s2] =	stream.linear.scatter [tilespmem:s11], [sflag:$0x1], $0x200, $0x38;
	[tilespmem:$0x800] =	vst v63  }
0x80: {  	_ =	swait.ge [sflag:s8], $0x200  }
0x81: {  	[sflag:s8] =	ssyncset.done $0x0  }
0x82: {  	s7 =	sadd.s32 $0xFFFFFFFF, s7;
	[sflag:s8] =	ssyncadd.s32 $0xFFFFFE00  }
0x83: {  	_ =	sfence.sel $0x180000  }
0x84: {  	[bflag:$0x0] =	sbarrier.arrive $0xFFFF  }
0x85: {  	p0 =	sne.s32 s1, $0x0;
	_ =	strace $0x90000047  }
0x86: {  	s0 =	sadd.s32 @!p0 $0x100000, s0;
	[bflag:$0x2] =	sbarrier.arrive $0xFFFF  }
0x87: {  	[sflag:s0] =	ssyncadd.tile.s32 @!p0 $0x1;
	_ =	shalt  }
.Lfunc_end2:
_tile_overlayer_lowered:
.L_overlay_start_2:
0x88: {  	(tag) =	ssettag $0x2  }
0x89: {  	s0 =	rddreg [dreg:$0x0];
	s2 =	stileid.u32  }
0x8a: {  	s1 =	rddreg [dreg:$0x1];
	p0 =	sne.s32 s2, $0x0  }
0x8b: {  	s3 =	rddreg [dreg:$0x2];
	[bflag:$0x3] =	sbarrier.arrive $0xFFFF;
	s2 =	simm.s32 @!p0 $0x1C01  }
0x8c: {  	[timem:s3], [sflag:s2] =	dma.local @!p0 [hbm:s0], s1  }
0x8d: {  	s0 =	simm.s32 @!p0 $0x1  }
0x8e: {  	_ =	swait.ge @!p0 [sflag:s0], s1  }
0x8f: {  	s1 =	ssub.s32 @!p0 $0x0, s1;
	[sflag:s0] =	ssyncset.done @!p0 $0x0  }
0x90: {  	[sflag:s0] =	ssyncadd.s32 @!p0 s1  }
0x91: {  	[bflag:$0x3] =	sbarrier.arrive $0xFFFF  }
0x92: {  	_ =	shalt  }

</sc_bundles>
